<compile_context>
chip_gen: v7x
topology: tpu7x:2x2x1
jax: 0.10.2.dev20260603
libtpu: 0.0.44.dev20260713+nightly
codegen_flags: <defaults>
</compile_context>

<pallas_src>
import functools

import jax
import jax.numpy as jnp
from jax import lax
from jax.experimental import pallas as pl
from jax.experimental.pallas import tpu as pltpu
from jax.experimental.pallas import tpu_sc as plsc

_HIGHEST = lax.Precision.HIGHEST
_DEFAULT = lax.Precision.DEFAULT



def _stats_body(sy_ref, f_ref, proto_ref, o_ref, cnt_ref, sim_ref,
                bank_ref, scale_ref, *, RH, RW, W, B, S, K, D, SB):
    b = pl.program_id(0)
    s = pl.program_id(1)
    N = RH * RW
    ik = lax.broadcasted_iota(jnp.int32, (W, RW), 0)
    jj = lax.broadcasted_iota(jnp.int32, (W, RW), 1)
    sel = (ik == (W // RW) * jj).astype(jnp.float32)
    ni = lax.broadcasted_iota(jnp.int32, (N, RH), 0)
    ii = lax.broadcasted_iota(jnp.int32, (N, RH), 1)
    e1 = (ni // RW == ii).astype(jnp.float32)
    nj = lax.broadcasted_iota(jnp.int32, (N, RW), 0)
    jc = lax.broadcasted_iota(jnp.int32, (N, RW), 1)
    pick = (nj % RW == jc).astype(jnp.float32)
    part = jnp.zeros((1, D), jnp.float32)
    c = jnp.zeros((1, 128), jnp.float32)
    for q in range(SB):
        rows = sy_ref[...][0, q, :, 0, 0, :]
        v = lax.dot_general(
            rows, sel, (((1,), (0,)), ((), ())),
            precision=_DEFAULT, preferred_element_type=jnp.float32)
        mask = jnp.where(v == 1.0, 1.0, 0.0)
        g = lax.dot_general(
            e1, mask, (((1,), (0,)), ((), ())),
            precision=_DEFAULT, preferred_element_type=jnp.float32)
        mcol = jnp.sum(g * pick, axis=1, keepdims=True)
        part = part + jnp.sum(f_ref[pl.ds(q, 1)][0] * mcol,
                              axis=0, keepdims=True)
        c = c + jnp.full((1, 128), jnp.sum(mask), jnp.float32)

    @pl.when(s == 0)
    def _init():
        o_ref[b] = part
        cnt_ref[b] = c

    @pl.when(s != 0)
    def _acc():
        o_ref[b] += part
        cnt_ref[b] += c

    @pl.when((b == B - 1) & (s == (S // SB) - 1))
    def _prep():
        spsum = o_ref[...][:, 0, :]
        cnt = cnt_ref[...][:, 0, :]
        p = proto_ref[...]
        num_fore = cnt[:, :1]
        sp = spsum / (num_fore + 1e-4)
        colnorm = jnp.sqrt(jnp.sum(p * p, axis=0, keepdims=True))
        bank = p / jnp.maximum(colnorm, 1e-12)
        spn = sp / jnp.maximum(
            jnp.sqrt(jnp.sum(sp * sp, axis=1, keepdims=True)), 1e-12)
        sim = lax.dot_general(
            spn, bank, (((1,), (0,)), ((), ())),
            precision=_HIGHEST, preferred_element_type=jnp.float32)
        colnorm2 = jnp.sqrt(jnp.sum(bank * bank, axis=0, keepdims=True))
        bank2 = bank / jnp.maximum(colnorm2, 1e-12)
        bank2t = jnp.transpose(bank2)
        for t in range(K // 128):
            sim_ref[pl.ds(B * t, B), :] = sim[:, 128 * t:128 * (t + 1)]
        for t in range(D // 128):
            bank_ref[pl.ds(K * t, K), :] = bank2t[:, 128 * t:128 * (t + 1)]
        sign = (num_fore > 0.5).astype(jnp.float32)
        scale_ref[...] = jnp.broadcast_to(sign * (float(D) ** 0.5), (B, 128))


def _stats_and_prep(s_y6, s_f, prototype, B, S, N, D, K, RH, RW, W, SB=2):
    return pl.pallas_call(
        functools.partial(_stats_body, RH=RH, RW=RW, W=W, B=B, S=S, K=K, D=D,
                          SB=SB),
        grid=(B, S // SB),
        in_specs=[
            pl.BlockSpec((1, SB, RH, 1, 8, W),
                         lambda b, s: (b, s, 0, 0, 0, 0)),
            pl.BlockSpec((SB, N, D), lambda b, s: (b * (S // SB) + s, 0, 0)),
            pl.BlockSpec((D, K), lambda b, s: (0, 0)),
        ],
        out_specs=[
            pl.BlockSpec((B, 1, D), lambda b, s: (0, 0, 0)),
            pl.BlockSpec((B, 1, 128), lambda b, s: (0, 0, 0)),
            pl.BlockSpec(((K // 128) * B, 128), lambda b, s: (0, 0)),
            pl.BlockSpec(((D // 128) * K, 128), lambda b, s: (0, 0)),
            pl.BlockSpec((B, 128), lambda b, s: (0, 0)),
        ],
        out_shape=[
            jax.ShapeDtypeStruct((B, 1, D), jnp.float32),
            jax.ShapeDtypeStruct((B, 1, 128), jnp.float32),
            jax.ShapeDtypeStruct(((K // 128) * B, 128), jnp.float32),
            jax.ShapeDtypeStruct(((D // 128) * K, 128), jnp.float32),
            jax.ShapeDtypeStruct((B, 128), jnp.float32),
        ],
    )(s_y6, s_f, prototype)



def _make_sc_select_kernel(B, K, D):
    info = plsc.get_sparse_core_info()
    NC = info.num_cores
    KT = K // 128
    DT = D // 128
    BIG = jnp.int32(1 << 30)
    mesh = plsc.VectorSubcoreMesh(core_axis_name="c", subcore_axis_name="s")

    @functools.partial(
        pl.kernel,
        mesh=mesh,
        out_type=jax.ShapeDtypeStruct((B, D), jnp.float32),
        scratch_types=[
            pltpu.VMEM((K,), jnp.float32),
            pltpu.VMEM((16,), jnp.int32),
            pltpu.VMEM((16, 128), jnp.float32),
            pltpu.VMEM((128,), jnp.float32),
            pltpu.VMEM((D,), jnp.float32),
            pltpu.SemaphoreType.DMA,
        ],
    )
    def sc_select(sim_hbm, bank_hbm, scale_hbm, out_hbm,
                  sim_v, idx_v, rows_v, scale_v, out_v, sem):
        b = lax.axis_index("s") * NC + lax.axis_index("c")

        @pl.when(b < B)
        def _body():
            for t in range(KT):
                pltpu.sync_copy(sim_hbm.at[B * t + b],
                                sim_v.at[pl.ds(128 * t, 128)])
            pltpu.sync_copy(scale_hbm.at[b], scale_v)
            lane = lax.broadcasted_iota(jnp.int32, (16,), 0)
            mx = jnp.full((16,), -jnp.inf, jnp.float32)
            lidx = jnp.full((16,), BIG, jnp.int32)
            for c in range(K // 16):
                v = sim_v[pl.ds(16 * c, 16)]
                upd = v > mx
                mx = jnp.where(upd, v, mx)
                lidx = jnp.where(upd, 16 * c + lane, lidx)
            bv = jnp.float32(-jnp.inf)
            bi = BIG
            for l in range(16):
                v = mx[l]
                i = lidx[l]
                take = (v > bv) | ((v == bv) & (i < bi))
                bv = jnp.where(take, v, bv)
                bi = jnp.where(take, i, bi)
            idx_v[...] = jnp.minimum(lane, DT - 1) * K + bi
            pltpu.async_copy(bank_hbm.at[idx_v], rows_v, sem).wait()
            sval = scale_v[pl.ds(0, 16)]
            for t in range(DT):
                for c in range(8):
                    out_v[pl.ds(128 * t + 16 * c, 16)] = (
                        rows_v[t, pl.ds(16 * c, 16)] * sval)
            pltpu.sync_copy(out_v, out_hbm.at[b])

    return sc_select


def _bank_select(simp, bankp, scalep, B, K, D):
    nsp = _make_sc_select_kernel(B, K, D)(simp, bankp, scalep)
    return nsp.reshape(B, 1, D)



def _fused_body(sf_ref, x_ref, nsp_ref, wd_ref, bd_ref, wua_ref,
                o_ref, *, BS):
    g = pl.program_id(0)
    nsp = nsp_ref[0]

    def run(f):
        sq = jnp.sum(f * f, axis=1, keepdims=True)
        inv = 1.0 / jnp.maximum(jnp.sqrt(sq), 1e-12)
        dotn = lax.dot_general(
            f, nsp, (((1,), (1,)), ((), ())),
            precision=_DEFAULT, preferred_element_type=jnp.float32)
        scale = 1.0 + jnp.clip(dotn * inv, 0.0, 6.0)
        hp = lax.dot_general(
            f, wd_ref[...], (((1,), (1,)), ((), ())),
            precision=_DEFAULT, preferred_element_type=jnp.float32)
        h = jnp.maximum(hp * scale + bd_ref[...], 0.0)
        ones = jnp.ones((h.shape[0], 1), jnp.float32)
        ha = jnp.concatenate([h, ones], axis=1)
        o_ref[0] = lax.dot_general(
            ha, wua_ref[...], (((1,), (1,)), ((), ())),
            precision=_DEFAULT, preferred_element_type=jnp.float32)

    run(jnp.where(g < BS, sf_ref[0], x_ref[0]))


def _fused_enhance_mlp(s_f, x, nsp_eff, W_down, b_down2, W_up_aug,
                       B, S, N, D, HID, T):
    BS = B * S
    NT = N // T
    G = BS + B

    def sf_map(g, t):
        return (jnp.minimum(g, BS - 1), jnp.where(g < BS, t, NT - 1), 0)

    def x_map(g, t):
        return (jnp.maximum(g - BS, 0), jnp.where(g < BS, 0, t), 0)

    def nsp_map(g, t):
        return (jnp.where(g < BS, g // S, g - BS), 0, 0)

    return pl.pallas_call(
        functools.partial(_fused_body, BS=BS),
        grid=(G, NT),
        in_specs=[
            pl.BlockSpec((1, T, D), sf_map),
            pl.BlockSpec((1, T, D), x_map),
            pl.BlockSpec((1, 1, D), nsp_map),
            pl.BlockSpec((HID, D), lambda g, t: (0, 0)),
            pl.BlockSpec((1, HID), lambda g, t: (0, 0)),
            pl.BlockSpec((D, HID + 1), lambda g, t: (0, 0)),
        ],
        out_specs=pl.BlockSpec((1, T, D), lambda g, t: (g, t, 0)),
        out_shape=jax.ShapeDtypeStruct((G, N, D), jnp.float32),
    )(s_f, x, nsp_eff, W_down, b_down2, W_up_aug)



def kernel(x, s_f, s_y, prototype, W_down, b_down, W_up, b_up):
    B, N, D = x.shape
    BS = s_f.shape[0]
    S = BS // B
    _, _, H, W = s_y.shape
    K = prototype.shape[1]
    HID = W_down.shape[0]
    RH = RW = int(round(N ** 0.5))

    s_y6 = s_y.reshape(B, S, RH, (H // RH) // 8, 8, W)
    _, _, simp, bankp, scalep = _stats_and_prep(
        s_y6, s_f, prototype, B, S, N, D, K, RH, RW, W)
    nsp_eff = _bank_select(simp, bankp, scalep, B, K, D)
    W_up_aug = jnp.concatenate([W_up, b_up[:, None]], axis=1)
    out = _fused_enhance_mlp(
        s_f, x, nsp_eff, W_down, b_down.reshape(1, HID), W_up_aug,
        B, S, N, D, HID, T=1024)
    return out

# --- scband reference (transcript-rebuilt; emitter-appended) ---
"""Pipeline reference for scband-prototype-adaptive-module-6236292514402 (READ-ONLY COPY).

The authoritative reference and input builder live on the scoring server;
editing this copy changes nothing except your own understanding.
"""

import jax, jax.numpy as jnp
import numpy as np

DIM = 768
CLASS_NUM = 512
HID = DIM // 16
RES = (32, 32)


def _l2norm(x, axis):
    n = jnp.linalg.norm(x, axis=axis, keepdims=True)
    return x / jnp.maximum(n, 1e-12)


def _nearest_resize(s_y, out_hw):
    B, S, H, W = s_y.shape
    oh, ow = out_hw
    hi = (jnp.arange(oh) * (H / oh)).astype(jnp.int32)
    wi = (jnp.arange(ow) * (W / ow)).astype(jnp.int32)
    return s_y[:, :, hi][:, :, :, wi]


def setup_inputs(seed: int = 0) -> dict:
    key = jax.random.key(seed)
    ks = jax.random.split(key, 8)
    B, S, N, D, H, W = 8, 4, 1024, DIM, 512, 512
    x = jax.random.normal(ks[0], (B, N, D), dtype=jnp.float32)
    s_f = jax.random.normal(ks[1], (B * S, N, D), dtype=jnp.float32)
    s_y = jax.random.randint(ks[2], (B, S, H, W), 0, 2).astype(jnp.float32)
    prototype = jax.random.normal(ks[3], (D, CLASS_NUM), dtype=jnp.float32)
    prototype = _l2norm(prototype, axis=0)
    W_down = jax.random.normal(ks[4], (HID, D), dtype=jnp.float32) * (1.0 / np.sqrt(D))
    b_down = jnp.zeros((HID,), jnp.float32)
    W_up = jax.random.normal(ks[5], (D, HID), dtype=jnp.float32) * (1.0 / np.sqrt(HID))
    b_up = jnp.zeros((D,), jnp.float32)
    return dict(x=x, s_f=s_f, s_y=s_y, prototype=prototype,
                W_down=W_down, b_down=b_down, W_up=W_up, b_up=b_up)


def reference(x, s_f, s_y, prototype, W_down, b_down, W_up, b_up):
    B, N, D = x.shape
    s_f4 = s_f.reshape(B, -1, N, D)
    S = s_f4.shape[1]
    # interpolate mask to token resolution (nearest)
    s_y_r = _nearest_resize(s_y, RES)
    sup_mask_fg = (s_y_r == 1).astype(jnp.float32).reshape(B, -1)[:, :, None]  # [B, S*N, 1]
    # extract_semantic_prototype
    num_fore = jnp.count_nonzero(sup_mask_fg.reshape(B, -1), axis=1)
    sp = (sup_mask_fg * s_f4.reshape(B, S * N, D)).mean(axis=1) * (N * S) / (num_fore[:, None].astype(jnp.float32) + 0.0001)
    sign = jnp.where(num_fore > 0.5, jnp.ones_like(num_fore), num_fore).astype(jnp.float32)  # [B]
    # select_prototype_bank (eval path, class_idx=None)
    bank = _l2norm(prototype, axis=0)
    spn = _l2norm(sp, axis=1)
    sim = spn @ bank  # [B, K]
    idx = jnp.argmax(sim, axis=1)
    new_sp = jnp.take(bank, idx, axis=1).T  # [B, D]

    def enhance(feat):
        fs = _l2norm(feat, axis=-1)
        nsp = _l2norm(new_sp, axis=1)
        sm = jnp.einsum('bsnd,bd->bsn', fs, nsp)
        sm = sm * (D ** 0.5) * sign[:, None, None]
        sm = jnp.clip(sm, 0.0, 6.0)  # ReLU6
        return sm[..., None] * feat + feat

    eq = enhance(x[:, None, :, :])
    es = enhance(s_f4)
    reg = jnp.concatenate([es.reshape(-1, N, D), eq[:, 0]], axis=0)  # [B*(S+1), N, D]
    h = jnp.maximum(reg @ W_down.T + b_down, 0.0)
    out = h @ W_up.T + b_up
    return out

if __name__ == "__main__":
    import jax
    _d = setup_inputs()
    print(jax.jit(kernel)(*tuple(_d.values())))

</pallas_src>

<mosaic_0001>
#map = affine_map<(d0, d1) -> (0, 0)>
#map1 = affine_map<(d0, d1) -> (0)>
module attributes {stable_mosaic.version = 14 : i64} {
  func.func @_rewritten_body(%arg0: i32, %arg1: i32, %arg2: memref<32x128xf32, #tpu.memory_space<hbm>>, %arg3: memref<3072x128xf32, #tpu.memory_space<hbm>>, %arg4: memref<8x128xf32, #tpu.memory_space<hbm>>, %arg5: memref<1xi32, #tpu.memory_space<hbm>>, %arg6: memref<8x768xf32, #tpu.memory_space<hbm>>, %arg7: memref<512xf32, #tpu.memory_space<vmem>>, %arg8: memref<16xi32, #tpu.memory_space<vmem>>, %arg9: memref<16x128xf32, #tpu.memory_space<vmem>>, %arg10: memref<128xf32, #tpu.memory_space<vmem>>, %arg11: memref<768xf32, #tpu.memory_space<vmem>>, %arg12: memref<!tpu.dma_semaphore, #tpu.memory_space<semaphore_mem>>) attributes {dimension_semantics = [#tpu.dimension_semantics<core_parallel>, #tpu.dimension_semantics<subcore_parallel>], iteration_bounds = array<i64: 2, 16>, scalar_prefetch = 0 : i64, scratch_operands = 6 : i64, tpu.core_type = #tpu.core_type<sc_vector_subcore>, window_params = [{transform_indices = #map}, {transform_indices = #map}, {transform_indices = #map}, {transform_indices = #map1}, {transform_indices = #map}]} {
    %empty_ref3A = memref.alloca() : memref<16xi32, #tpu.memory_space<vmem>>
    "tpu.region"() ({
      %run_scoped3A = tpu.sem_alloc : memref<!tpu.dma_semaphore, #tpu.memory_space<semaphore_mem>>
      %dma_start3A = arith.constant 0 : i32
      %dma_start3A_5 = tpu.memref_slice %empty_ref3A[%dma_start3A] : memref<16xi32, #tpu.memory_space<vmem>> -> memref<1xi32, #tpu.memory_space<vmem>>
      %dma_start3A_6 = arith.constant 0 : i32
      %dma_start3A_7 = tpu.memref_slice %empty_ref3A[%dma_start3A_6] : memref<16xi32, #tpu.memory_space<vmem>> -> memref<1xi32, #tpu.memory_space<vmem>>
      tpu.enqueue_dma source(%arg5 : memref<1xi32, #tpu.memory_space<hbm>>) target(%dma_start3A_7 : memref<1xi32, #tpu.memory_space<vmem>>) target_semaphore(%run_scoped3A : memref<!tpu.dma_semaphore, #tpu.memory_space<semaphore_mem>>)
      %dma_wait3A = arith.constant 0 : i32
      %dma_wait3A_8 = tpu.memref_slice %empty_ref3A[%dma_wait3A] : memref<16xi32, #tpu.memory_space<vmem>> -> memref<1xi32, #tpu.memory_space<vmem>>
      %dma_wait3A_9 = arith.constant 0 : i32
      %dma_wait3A_10 = tpu.memref_slice %empty_ref3A[%dma_wait3A_9] : memref<16xi32, #tpu.memory_space<vmem>> -> memref<1xi32, #tpu.memory_space<vmem>>
      tpu.wait_dma2 semaphore(%run_scoped3A : memref<!tpu.dma_semaphore, #tpu.memory_space<semaphore_mem>>) src(%arg5 : memref<1xi32, #tpu.memory_space<hbm>>) dst(%dma_wait3A_10 : memref<1xi32, #tpu.memory_space<vmem>>)
      tpu.yield
    }) : () -> ()
    %get3A = arith.constant 0 : index
    %get3A_0 = tpu.vector_load %empty_ref3A[%get3A] {strides = array<i32>} : memref<16xi32, #tpu.memory_space<vmem>>, vector<16xi32>,
    %get3A_1 = vector.shape_cast %get3A_0 : vector<16xi32> to vector<16xi32>
    %slice3A = vector.extract_strided_slice %get3A_1 {offsets = [0], sizes = [1], strides = [1]} : vector<16xi32> to vector<1xi32>
    %squeeze3A = vector.extract %slice3A[0] : i32 from vector<1xi32>
    %mul3A = arith.constant 2 : i32
    %mul3A_2 = arith.muli %arg1, %mul3A : i32
    %add3A = arith.addi %mul3A_2, %arg0 : i32
    %lt3A = arith.constant 8 : i32
    %lt3A_3 = arith.cmpi slt, %add3A, %lt3A : i32
    %convert_element_type3A = arith.extui %lt3A_3 : i1 to i32
    %cond3A = arith.constant 0 : i32
    %cond3A_4 = arith.cmpi ne, %convert_element_type3A, %cond3A : i32
    scf.if %cond3A_4 {
      %add3A_5 = arith.constant 0 : i32
      %add3A_6 = arith.addi %add3A_5, %add3A : i32
      "tpu.region"() ({
        %run_scoped3A = tpu.sem_alloc : memref<!tpu.dma_semaphore, #tpu.memory_space<semaphore_mem>>
        %dma_start3A_973 = arith.constant 0 : i32
        %dma_start3A_974 = tpu.memref_slice %arg7[%dma_start3A_973] : memref<512xf32, #tpu.memory_space<vmem>> -> memref<128xf32, #tpu.memory_space<vmem>>
        %dma_start3A_975 = arith.constant 0 : i32
        %dma_start3A_976 = tpu.memref_slice %arg2[%add3A_6, %dma_start3A_975] : memref<32x128xf32, #tpu.memory_space<hbm>> -> memref<1x128xf32, #tpu.memory_space<hbm>>
        %dma_start3A_977 = tpu.memref_squeeze %dma_start3A_976 : memref<1x128xf32, #tpu.memory_space<hbm>> -> memref<128xf32, #tpu.memory_space<hbm>>
        %dma_start3A_978 = arith.constant 0 : i32
        %dma_start3A_979 = tpu.memref_slice %arg7[%dma_start3A_978] : memref<512xf32, #tpu.memory_space<vmem>> -> memref<128xf32, #tpu.memory_space<vmem>>
        %dma_start3A_980 = arith.constant 0 : i32
        %dma_start3A_981 = tpu.memref_slice %arg2[%add3A_6, %dma_start3A_980] : memref<32x128xf32, #tpu.memory_space<hbm>> -> memref<1x128xf32, #tpu.memory_space<hbm>>
        %dma_start3A_982 = tpu.memref_squeeze %dma_start3A_981 : memref<1x128xf32, #tpu.memory_space<hbm>> -> memref<128xf32, #tpu.memory_space<hbm>>
        tpu.enqueue_dma source(%dma_start3A_982 : memref<128xf32, #tpu.memory_space<hbm>>) target(%dma_start3A_979 : memref<128xf32, #tpu.memory_space<vmem>>) target_semaphore(%run_scoped3A : memref<!tpu.dma_semaphore, #tpu.memory_space<semaphore_mem>>)
        %dma_wait3A_983 = arith.constant 0 : i32
        %dma_wait3A_984 = tpu.memref_slice %arg7[%dma_wait3A_983] : memref<512xf32, #tpu.memory_space<vmem>> -> memref<128xf32, #tpu.memory_space<vmem>>
        %dma_wait3A_985 = arith.constant 0 : i32
        %dma_wait3A_986 = tpu.memref_slice %arg2[%add3A_6, %dma_wait3A_985] : memref<32x128xf32, #tpu.memory_space<hbm>> -> memref<1x128xf32, #tpu.memory_space<hbm>>
        %dma_wait3A_987 = tpu.memref_squeeze %dma_wait3A_986 : memref<1x128xf32, #tpu.memory_space<hbm>> -> memref<128xf32, #tpu.memory_space<hbm>>
        %dma_wait3A_988 = arith.constant 0 : i32
        %dma_wait3A_989 = tpu.memref_slice %arg7[%dma_wait3A_988] : memref<512xf32, #tpu.memory_space<vmem>> -> memref<128xf32, #tpu.memory_space<vmem>>
        %dma_wait3A_990 = arith.constant 0 : i32
        %dma_wait3A_991 = tpu.memref_slice %arg2[%add3A_6, %dma_wait3A_990] : memref<32x128xf32, #tpu.memory_space<hbm>> -> memref<1x128xf32, #tpu.memory_space<hbm>>
        %dma_wait3A_992 = tpu.memref_squeeze %dma_wait3A_991 : memref<1x128xf32, #tpu.memory_space<hbm>> -> memref<128xf32, #tpu.memory_space<hbm>>
        tpu.wait_dma2 semaphore(%run_scoped3A : memref<!tpu.dma_semaphore, #tpu.memory_space<semaphore_mem>>) src(%dma_wait3A_992 : memref<128xf32, #tpu.memory_space<hbm>>) dst(%dma_wait3A_989 : memref<128xf32, #tpu.memory_space<vmem>>)
        tpu.yield
      }) : () -> ()
      %add3A_7 = arith.constant 8 : i32
      %add3A_8 = arith.addi %add3A_7, %add3A : i32
      "tpu.region"() ({
        %run_scoped3A = tpu.sem_alloc : memref<!tpu.dma_semaphore, #tpu.memory_space<semaphore_mem>>
        %dma_start3A_973 = arith.constant 128 : i32
        %dma_start3A_974 = tpu.memref_slice %arg7[%dma_start3A_973] : memref<512xf32, #tpu.memory_space<vmem>> -> memref<128xf32, #tpu.memory_space<vmem>>
        %dma_start3A_975 = arith.constant 0 : i32
        %dma_start3A_976 = tpu.memref_slice %arg2[%add3A_8, %dma_start3A_975] : memref<32x128xf32, #tpu.memory_space<hbm>> -> memref<1x128xf32, #tpu.memory_space<hbm>>
        %dma_start3A_977 = tpu.memref_squeeze %dma_start3A_976 : memref<1x128xf32, #tpu.memory_space<hbm>> -> memref<128xf32, #tpu.memory_space<hbm>>
        %dma_start3A_978 = arith.constant 128 : i32
        %dma_start3A_979 = tpu.memref_slice %arg7[%dma_start3A_978] : memref<512xf32, #tpu.memory_space<vmem>> -> memref<128xf32, #tpu.memory_space<vmem>>
        %dma_start3A_980 = arith.constant 0 : i32
        %dma_start3A_981 = tpu.memref_slice %arg2[%add3A_8, %dma_start3A_980] : memref<32x128xf32, #tpu.memory_space<hbm>> -> memref<1x128xf32, #tpu.memory_space<hbm>>
        %dma_start3A_982 = tpu.memref_squeeze %dma_start3A_981 : memref<1x128xf32, #tpu.memory_space<hbm>> -> memref<128xf32, #tpu.memory_space<hbm>>
        tpu.enqueue_dma source(%dma_start3A_982 : memref<128xf32, #tpu.memory_space<hbm>>) target(%dma_start3A_979 : memref<128xf32, #tpu.memory_space<vmem>>) target_semaphore(%run_scoped3A : memref<!tpu.dma_semaphore, #tpu.memory_space<semaphore_mem>>)
        %dma_wait3A_983 = arith.constant 128 : i32
        %dma_wait3A_984 = tpu.memref_slice %arg7[%dma_wait3A_983] : memref<512xf32, #tpu.memory_space<vmem>> -> memref<128xf32, #tpu.memory_space<vmem>>
        %dma_wait3A_985 = arith.constant 0 : i32
        %dma_wait3A_986 = tpu.memref_slice %arg2[%add3A_8, %dma_wait3A_985] : memref<32x128xf32, #tpu.memory_space<hbm>> -> memref<1x128xf32, #tpu.memory_space<hbm>>
        %dma_wait3A_987 = tpu.memref_squeeze %dma_wait3A_986 : memref<1x128xf32, #tpu.memory_space<hbm>> -> memref<128xf32, #tpu.memory_space<hbm>>
        %dma_wait3A_988 = arith.constant 128 : i32
        %dma_wait3A_989 = tpu.memref_slice %arg7[%dma_wait3A_988] : memref<512xf32, #tpu.memory_space<vmem>> -> memref<128xf32, #tpu.memory_space<vmem>>
        %dma_wait3A_990 = arith.constant 0 : i32
        %dma_wait3A_991 = tpu.memref_slice %arg2[%add3A_8, %dma_wait3A_990] : memref<32x128xf32, #tpu.memory_space<hbm>> -> memref<1x128xf32, #tpu.memory_space<hbm>>
        %dma_wait3A_992 = tpu.memref_squeeze %dma_wait3A_991 : memref<1x128xf32, #tpu.memory_space<hbm>> -> memref<128xf32, #tpu.memory_space<hbm>>
        tpu.wait_dma2 semaphore(%run_scoped3A : memref<!tpu.dma_semaphore, #tpu.memory_space<semaphore_mem>>) src(%dma_wait3A_992 : memref<128xf32, #tpu.memory_space<hbm>>) dst(%dma_wait3A_989 : memref<128xf32, #tpu.memory_space<vmem>>)
        tpu.yield
      }) : () -> ()
      %add3A_9 = arith.constant 16 : i32
      %add3A_10 = arith.addi %add3A_9, %add3A : i32
      "tpu.region"() ({
        %run_scoped3A = tpu.sem_alloc : memref<!tpu.dma_semaphore, #tpu.memory_space<semaphore_mem>>
        %dma_start3A_973 = arith.constant 256 : i32
        %dma_start3A_974 = tpu.memref_slice %arg7[%dma_start3A_973] : memref<512xf32, #tpu.memory_space<vmem>> -> memref<128xf32, #tpu.memory_space<vmem>>
        %dma_start3A_975 = arith.constant 0 : i32
        %dma_start3A_976 = tpu.memref_slice %arg2[%add3A_10, %dma_start3A_975] : memref<32x128xf32, #tpu.memory_space<hbm>> -> memref<1x128xf32, #tpu.memory_space<hbm>>
        %dma_start3A_977 = tpu.memref_squeeze %dma_start3A_976 : memref<1x128xf32, #tpu.memory_space<hbm>> -> memref<128xf32, #tpu.memory_space<hbm>>
        %dma_start3A_978 = arith.constant 256 : i32
        %dma_start3A_979 = tpu.memref_slice %arg7[%dma_start3A_978] : memref<512xf32, #tpu.memory_space<vmem>> -> memref<128xf32, #tpu.memory_space<vmem>>
        %dma_start3A_980 = arith.constant 0 : i32
        %dma_start3A_981 = tpu.memref_slice %arg2[%add3A_10, %dma_start3A_980] : memref<32x128xf32, #tpu.memory_space<hbm>> -> memref<1x128xf32, #tpu.memory_space<hbm>>
        %dma_start3A_982 = tpu.memref_squeeze %dma_start3A_981 : memref<1x128xf32, #tpu.memory_space<hbm>> -> memref<128xf32, #tpu.memory_space<hbm>>
        tpu.enqueue_dma source(%dma_start3A_982 : memref<128xf32, #tpu.memory_space<hbm>>) target(%dma_start3A_979 : memref<128xf32, #tpu.memory_space<vmem>>) target_semaphore(%run_scoped3A : memref<!tpu.dma_semaphore, #tpu.memory_space<semaphore_mem>>)
        %dma_wait3A_983 = arith.constant 256 : i32
        %dma_wait3A_984 = tpu.memref_slice %arg7[%dma_wait3A_983] : memref<512xf32, #tpu.memory_space<vmem>> -> memref<128xf32, #tpu.memory_space<vmem>>
        %dma_wait3A_985 = arith.constant 0 : i32
        %dma_wait3A_986 = tpu.memref_slice %arg2[%add3A_10, %dma_wait3A_985] : memref<32x128xf32, #tpu.memory_space<hbm>> -> memref<1x128xf32, #tpu.memory_space<hbm>>
        %dma_wait3A_987 = tpu.memref_squeeze %dma_wait3A_986 : memref<1x128xf32, #tpu.memory_space<hbm>> -> memref<128xf32, #tpu.memory_space<hbm>>
        %dma_wait3A_988 = arith.constant 256 : i32
        %dma_wait3A_989 = tpu.memref_slice %arg7[%dma_wait3A_988] : memref<512xf32, #tpu.memory_space<vmem>> -> memref<128xf32, #tpu.memory_space<vmem>>
        %dma_wait3A_990 = arith.constant 0 : i32
        %dma_wait3A_991 = tpu.memref_slice %arg2[%add3A_10, %dma_wait3A_990] : memref<32x128xf32, #tpu.memory_space<hbm>> -> memref<1x128xf32, #tpu.memory_space<hbm>>
        %dma_wait3A_992 = tpu.memref_squeeze %dma_wait3A_991 : memref<1x128xf32, #tpu.memory_space<hbm>> -> memref<128xf32, #tpu.memory_space<hbm>>
        tpu.wait_dma2 semaphore(%run_scoped3A : memref<!tpu.dma_semaphore, #tpu.memory_space<semaphore_mem>>) src(%dma_wait3A_992 : memref<128xf32, #tpu.memory_space<hbm>>) dst(%dma_wait3A_989 : memref<128xf32, #tpu.memory_space<vmem>>)
        tpu.yield
      }) : () -> ()
      %add3A_11 = arith.constant 24 : i32
      %add3A_12 = arith.addi %add3A_11, %add3A : i32
      "tpu.region"() ({
        %run_scoped3A = tpu.sem_alloc : memref<!tpu.dma_semaphore, #tpu.memory_space<semaphore_mem>>
        %dma_start3A_973 = arith.constant 384 : i32
        %dma_start3A_974 = tpu.memref_slice %arg7[%dma_start3A_973] : memref<512xf32, #tpu.memory_space<vmem>> -> memref<128xf32, #tpu.memory_space<vmem>>
        %dma_start3A_975 = arith.constant 0 : i32
        %dma_start3A_976 = tpu.memref_slice %arg2[%add3A_12, %dma_start3A_975] : memref<32x128xf32, #tpu.memory_space<hbm>> -> memref<1x128xf32, #tpu.memory_space<hbm>>
        %dma_start3A_977 = tpu.memref_squeeze %dma_start3A_976 : memref<1x128xf32, #tpu.memory_space<hbm>> -> memref<128xf32, #tpu.memory_space<hbm>>
        %dma_start3A_978 = arith.constant 384 : i32
        %dma_start3A_979 = tpu.memref_slice %arg7[%dma_start3A_978] : memref<512xf32, #tpu.memory_space<vmem>> -> memref<128xf32, #tpu.memory_space<vmem>>
        %dma_start3A_980 = arith.constant 0 : i32
        %dma_start3A_981 = tpu.memref_slice %arg2[%add3A_12, %dma_start3A_980] : memref<32x128xf32, #tpu.memory_space<hbm>> -> memref<1x128xf32, #tpu.memory_space<hbm>>
        %dma_start3A_982 = tpu.memref_squeeze %dma_start3A_981 : memref<1x128xf32, #tpu.memory_space<hbm>> -> memref<128xf32, #tpu.memory_space<hbm>>
        tpu.enqueue_dma source(%dma_start3A_982 : memref<128xf32, #tpu.memory_space<hbm>>) target(%dma_start3A_979 : memref<128xf32, #tpu.memory_space<vmem>>) target_semaphore(%run_scoped3A : memref<!tpu.dma_semaphore, #tpu.memory_space<semaphore_mem>>)
        %dma_wait3A_983 = arith.constant 384 : i32
        %dma_wait3A_984 = tpu.memref_slice %arg7[%dma_wait3A_983] : memref<512xf32, #tpu.memory_space<vmem>> -> memref<128xf32, #tpu.memory_space<vmem>>
        %dma_wait3A_985 = arith.constant 0 : i32
        %dma_wait3A_986 = tpu.memref_slice %arg2[%add3A_12, %dma_wait3A_985] : memref<32x128xf32, #tpu.memory_space<hbm>> -> memref<1x128xf32, #tpu.memory_space<hbm>>
        %dma_wait3A_987 = tpu.memref_squeeze %dma_wait3A_986 : memref<1x128xf32, #tpu.memory_space<hbm>> -> memref<128xf32, #tpu.memory_space<hbm>>
        %dma_wait3A_988 = arith.constant 384 : i32
        %dma_wait3A_989 = tpu.memref_slice %arg7[%dma_wait3A_988] : memref<512xf32, #tpu.memory_space<vmem>> -> memref<128xf32, #tpu.memory_space<vmem>>
        %dma_wait3A_990 = arith.constant 0 : i32
        %dma_wait3A_991 = tpu.memref_slice %arg2[%add3A_12, %dma_wait3A_990] : memref<32x128xf32, #tpu.memory_space<hbm>> -> memref<1x128xf32, #tpu.memory_space<hbm>>
        %dma_wait3A_992 = tpu.memref_squeeze %dma_wait3A_991 : memref<1x128xf32, #tpu.memory_space<hbm>> -> memref<128xf32, #tpu.memory_space<hbm>>
        tpu.wait_dma2 semaphore(%run_scoped3A : memref<!tpu.dma_semaphore, #tpu.memory_space<semaphore_mem>>) src(%dma_wait3A_992 : memref<128xf32, #tpu.memory_space<hbm>>) dst(%dma_wait3A_989 : memref<128xf32, #tpu.memory_space<vmem>>)
        tpu.yield
      }) : () -> ()
      "tpu.region"() ({
        %run_scoped3A = tpu.sem_alloc : memref<!tpu.dma_semaphore, #tpu.memory_space<semaphore_mem>>
        %dma_start3A_973 = arith.constant 0 : i32
        %dma_start3A_974 = tpu.memref_slice %arg4[%add3A, %dma_start3A_973] : memref<8x128xf32, #tpu.memory_space<hbm>> -> memref<1x128xf32, #tpu.memory_space<hbm>>
        %dma_start3A_975 = tpu.memref_squeeze %dma_start3A_974 : memref<1x128xf32, #tpu.memory_space<hbm>> -> memref<128xf32, #tpu.memory_space<hbm>>
        %dma_start3A_976 = arith.constant 0 : i32
        %dma_start3A_977 = tpu.memref_slice %arg4[%add3A, %dma_start3A_976] : memref<8x128xf32, #tpu.memory_space<hbm>> -> memref<1x128xf32, #tpu.memory_space<hbm>>
        %dma_start3A_978 = tpu.memref_squeeze %dma_start3A_977 : memref<1x128xf32, #tpu.memory_space<hbm>> -> memref<128xf32, #tpu.memory_space<hbm>>
        tpu.enqueue_dma source(%dma_start3A_978 : memref<128xf32, #tpu.memory_space<hbm>>) target(%arg10 : memref<128xf32, #tpu.memory_space<vmem>>) target_semaphore(%run_scoped3A : memref<!tpu.dma_semaphore, #tpu.memory_space<semaphore_mem>>)
        %dma_wait3A_979 = arith.constant 0 : i32
        %dma_wait3A_980 = tpu.memref_slice %arg4[%add3A, %dma_wait3A_979] : memref<8x128xf32, #tpu.memory_space<hbm>> -> memref<1x128xf32, #tpu.memory_space<hbm>>
        %dma_wait3A_981 = tpu.memref_squeeze %dma_wait3A_980 : memref<1x128xf32, #tpu.memory_space<hbm>> -> memref<128xf32, #tpu.memory_space<hbm>>
        %dma_wait3A_982 = arith.constant 0 : i32
        %dma_wait3A_983 = tpu.memref_slice %arg4[%add3A, %dma_wait3A_982] : memref<8x128xf32, #tpu.memory_space<hbm>> -> memref<1x128xf32, #tpu.memory_space<hbm>>
        %dma_wait3A_984 = tpu.memref_squeeze %dma_wait3A_983 : memref<1x128xf32, #tpu.memory_space<hbm>> -> memref<128xf32, #tpu.memory_space<hbm>>
        tpu.wait_dma2 semaphore(%run_scoped3A : memref<!tpu.dma_semaphore, #tpu.memory_space<semaphore_mem>>) src(%dma_wait3A_984 : memref<128xf32, #tpu.memory_space<hbm>>) dst(%arg10 : memref<128xf32, #tpu.memory_space<vmem>>)
        tpu.yield
      }) : () -> ()
      %iota3A = tpu.iota {dimensions = array<i32: 0>} : vector<16xi32>
      %broadcast_in_dim3A = arith.constant 0xFF800000 : f32
      %broadcast_in_dim3A_13 = vector.broadcast %broadcast_in_dim3A : f32 to vector<16xf32>
      %broadcast_in_dim3A_14 = vector.broadcast %squeeze3A : i32 to vector<16xi32>
      %get3A_15 = arith.constant 0 : index
      %get3A_16 = tpu.vector_load %arg7[%get3A_15] {strides = array<i32>} : memref<512xf32, #tpu.memory_space<vmem>>, vector<16xf32>,
      %get3A_17 = vector.shape_cast %get3A_16 : vector<16xf32> to vector<16xf32>
      %gt3A = arith.cmpf ogt, %get3A_17, %broadcast_in_dim3A_13 : vector<16xf32>
      %select_n3A = arith.select %gt3A, %get3A_17, %broadcast_in_dim3A_13 : vector<16xi1>, vector<16xf32>
      %add3A_18 = arith.constant 0 : i32
      %add3A_19 = vector.broadcast %add3A_18 : i32 to vector<16xi32>
      %add3A_20 = arith.addi %add3A_19, %iota3A : vector<16xi32>
      %select_n3A_21 = arith.select %gt3A, %add3A_20, %broadcast_in_dim3A_14 : vector<16xi1>, vector<16xi32>
      %get3A_22 = arith.constant 16 : index
      %get3A_23 = tpu.vector_load %arg7[%get3A_22] {strides = array<i32>} : memref<512xf32, #tpu.memory_space<vmem>>, vector<16xf32>,
      %get3A_24 = vector.shape_cast %get3A_23 : vector<16xf32> to vector<16xf32>
      %gt3A_25 = arith.cmpf ogt, %get3A_24, %select_n3A : vector<16xf32>
      %select_n3A_26 = arith.select %gt3A_25, %get3A_24, %select_n3A : vector<16xi1>, vector<16xf32>
      %add3A_27 = arith.constant 16 : i32
      %add3A_28 = vector.broadcast %add3A_27 : i32 to vector<16xi32>
      %add3A_29 = arith.addi %add3A_28, %iota3A : vector<16xi32>
      %select_n3A_30 = arith.select %gt3A_25, %add3A_29, %select_n3A_21 : vector<16xi1>, vector<16xi32>
      %get3A_31 = arith.constant 32 : index
      %get3A_32 = tpu.vector_load %arg7[%get3A_31] {strides = array<i32>} : memref<512xf32, #tpu.memory_space<vmem>>, vector<16xf32>,
      %get3A_33 = vector.shape_cast %get3A_32 : vector<16xf32> to vector<16xf32>
      %gt3A_34 = arith.cmpf ogt, %get3A_33, %select_n3A_26 : vector<16xf32>
      %select_n3A_35 = arith.select %gt3A_34, %get3A_33, %select_n3A_26 : vector<16xi1>, vector<16xf32>
      %add3A_36 = arith.constant 32 : i32
      %add3A_37 = vector.broadcast %add3A_36 : i32 to vector<16xi32>
      %add3A_38 = arith.addi %add3A_37, %iota3A : vector<16xi32>
      %select_n3A_39 = arith.select %gt3A_34, %add3A_38, %select_n3A_30 : vector<16xi1>, vector<16xi32>
      %get3A_40 = arith.constant 48 : index
      %get3A_41 = tpu.vector_load %arg7[%get3A_40] {strides = array<i32>} : memref<512xf32, #tpu.memory_space<vmem>>, vector<16xf32>,
      %get3A_42 = vector.shape_cast %get3A_41 : vector<16xf32> to vector<16xf32>
      %gt3A_43 = arith.cmpf ogt, %get3A_42, %select_n3A_35 : vector<16xf32>
      %select_n3A_44 = arith.select %gt3A_43, %get3A_42, %select_n3A_35 : vector<16xi1>, vector<16xf32>
      %add3A_45 = arith.constant 48 : i32
      %add3A_46 = vector.broadcast %add3A_45 : i32 to vector<16xi32>
      %add3A_47 = arith.addi %add3A_46, %iota3A : vector<16xi32>
      %select_n3A_48 = arith.select %gt3A_43, %add3A_47, %select_n3A_39 : vector<16xi1>, vector<16xi32>
      %get3A_49 = arith.constant 64 : index
      %get3A_50 = tpu.vector_load %arg7[%get3A_49] {strides = array<i32>} : memref<512xf32, #tpu.memory_space<vmem>>, vector<16xf32>,
      %get3A_51 = vector.shape_cast %get3A_50 : vector<16xf32> to vector<16xf32>
      %gt3A_52 = arith.cmpf ogt, %get3A_51, %select_n3A_44 : vector<16xf32>
      %select_n3A_53 = arith.select %gt3A_52, %get3A_51, %select_n3A_44 : vector<16xi1>, vector<16xf32>
      %add3A_54 = arith.constant 64 : i32
      %add3A_55 = vector.broadcast %add3A_54 : i32 to vector<16xi32>
      %add3A_56 = arith.addi %add3A_55, %iota3A : vector<16xi32>
      %select_n3A_57 = arith.select %gt3A_52, %add3A_56, %select_n3A_48 : vector<16xi1>, vector<16xi32>
      %get3A_58 = arith.constant 80 : index
      %get3A_59 = tpu.vector_load %arg7[%get3A_58] {strides = array<i32>} : memref<512xf32, #tpu.memory_space<vmem>>, vector<16xf32>,
      %get3A_60 = vector.shape_cast %get3A_59 : vector<16xf32> to vector<16xf32>
      %gt3A_61 = arith.cmpf ogt, %get3A_60, %select_n3A_53 : vector<16xf32>
      %select_n3A_62 = arith.select %gt3A_61, %get3A_60, %select_n3A_53 : vector<16xi1>, vector<16xf32>
      %add3A_63 = arith.constant 80 : i32
      %add3A_64 = vector.broadcast %add3A_63 : i32 to vector<16xi32>
      %add3A_65 = arith.addi %add3A_64, %iota3A : vector<16xi32>
      %select_n3A_66 = arith.select %gt3A_61, %add3A_65, %select_n3A_57 : vector<16xi1>, vector<16xi32>
      %get3A_67 = arith.constant 96 : index
      %get3A_68 = tpu.vector_load %arg7[%get3A_67] {strides = array<i32>} : memref<512xf32, #tpu.memory_space<vmem>>, vector<16xf32>,
      %get3A_69 = vector.shape_cast %get3A_68 : vector<16xf32> to vector<16xf32>
      %gt3A_70 = arith.cmpf ogt, %get3A_69, %select_n3A_62 : vector<16xf32>
      %select_n3A_71 = arith.select %gt3A_70, %get3A_69, %select_n3A_62 : vector<16xi1>, vector<16xf32>
      %add3A_72 = arith.constant 96 : i32
      %add3A_73 = vector.broadcast %add3A_72 : i32 to vector<16xi32>
      %add3A_74 = arith.addi %add3A_73, %iota3A : vector<16xi32>
      %select_n3A_75 = arith.select %gt3A_70, %add3A_74, %select_n3A_66 : vector<16xi1>, vector<16xi32>
      %get3A_76 = arith.constant 112 : index
      %get3A_77 = tpu.vector_load %arg7[%get3A_76] {strides = array<i32>} : memref<512xf32, #tpu.memory_space<vmem>>, vector<16xf32>,
      %get3A_78 = vector.shape_cast %get3A_77 : vector<16xf32> to vector<16xf32>
      %gt3A_79 = arith.cmpf ogt, %get3A_78, %select_n3A_71 : vector<16xf32>
      %select_n3A_80 = arith.select %gt3A_79, %get3A_78, %select_n3A_71 : vector<16xi1>, vector<16xf32>
      %add3A_81 = arith.constant 112 : i32
      %add3A_82 = vector.broadcast %add3A_81 : i32 to vector<16xi32>
      %add3A_83 = arith.addi %add3A_82, %iota3A : vector<16xi32>
      %select_n3A_84 = arith.select %gt3A_79, %add3A_83, %select_n3A_75 : vector<16xi1>, vector<16xi32>
      %get3A_85 = arith.constant 128 : index
      %get3A_86 = tpu.vector_load %arg7[%get3A_85] {strides = array<i32>} : memref<512xf32, #tpu.memory_space<vmem>>, vector<16xf32>,
      %get3A_87 = vector.shape_cast %get3A_86 : vector<16xf32> to vector<16xf32>
      %gt3A_88 = arith.cmpf ogt, %get3A_87, %select_n3A_80 : vector<16xf32>
      %select_n3A_89 = arith.select %gt3A_88, %get3A_87, %select_n3A_80 : vector<16xi1>, vector<16xf32>
      %add3A_90 = arith.constant 128 : i32
      %add3A_91 = vector.broadcast %add3A_90 : i32 to vector<16xi32>
      %add3A_92 = arith.addi %add3A_91, %iota3A : vector<16xi32>
      %select_n3A_93 = arith.select %gt3A_88, %add3A_92, %select_n3A_84 : vector<16xi1>, vector<16xi32>
      %get3A_94 = arith.constant 144 : index
      %get3A_95 = tpu.vector_load %arg7[%get3A_94] {strides = array<i32>} : memref<512xf32, #tpu.memory_space<vmem>>, vector<16xf32>,
      %get3A_96 = vector.shape_cast %get3A_95 : vector<16xf32> to vector<16xf32>
      %gt3A_97 = arith.cmpf ogt, %get3A_96, %select_n3A_89 : vector<16xf32>
      %select_n3A_98 = arith.select %gt3A_97, %get3A_96, %select_n3A_89 : vector<16xi1>, vector<16xf32>
      %add3A_99 = arith.constant 144 : i32
      %add3A_100 = vector.broadcast %add3A_99 : i32 to vector<16xi32>
      %add3A_101 = arith.addi %add3A_100, %iota3A : vector<16xi32>
      %select_n3A_102 = arith.select %gt3A_97, %add3A_101, %select_n3A_93 : vector<16xi1>, vector<16xi32>
      %get3A_103 = arith.constant 160 : index
      %get3A_104 = tpu.vector_load %arg7[%get3A_103] {strides = array<i32>} : memref<512xf32, #tpu.memory_space<vmem>>, vector<16xf32>,
      %get3A_105 = vector.shape_cast %get3A_104 : vector<16xf32> to vector<16xf32>
      %gt3A_106 = arith.cmpf ogt, %get3A_105, %select_n3A_98 : vector<16xf32>
      %select_n3A_107 = arith.select %gt3A_106, %get3A_105, %select_n3A_98 : vector<16xi1>, vector<16xf32>
      %add3A_108 = arith.constant 160 : i32
      %add3A_109 = vector.broadcast %add3A_108 : i32 to vector<16xi32>
      %add3A_110 = arith.addi %add3A_109, %iota3A : vector<16xi32>
      %select_n3A_111 = arith.select %gt3A_106, %add3A_110, %select_n3A_102 : vector<16xi1>, vector<16xi32>
      %get3A_112 = arith.constant 176 : index
      %get3A_113 = tpu.vector_load %arg7[%get3A_112] {strides = array<i32>} : memref<512xf32, #tpu.memory_space<vmem>>, vector<16xf32>,
      %get3A_114 = vector.shape_cast %get3A_113 : vector<16xf32> to vector<16xf32>
      %gt3A_115 = arith.cmpf ogt, %get3A_114, %select_n3A_107 : vector<16xf32>
      %select_n3A_116 = arith.select %gt3A_115, %get3A_114, %select_n3A_107 : vector<16xi1>, vector<16xf32>
      %add3A_117 = arith.constant 176 : i32
      %add3A_118 = vector.broadcast %add3A_117 : i32 to vector<16xi32>
      %add3A_119 = arith.addi %add3A_118, %iota3A : vector<16xi32>
      %select_n3A_120 = arith.select %gt3A_115, %add3A_119, %select_n3A_111 : vector<16xi1>, vector<16xi32>
      %get3A_121 = arith.constant 192 : index
      %get3A_122 = tpu.vector_load %arg7[%get3A_121] {strides = array<i32>} : memref<512xf32, #tpu.memory_space<vmem>>, vector<16xf32>,
      %get3A_123 = vector.shape_cast %get3A_122 : vector<16xf32> to vector<16xf32>
      %gt3A_124 = arith.cmpf ogt, %get3A_123, %select_n3A_116 : vector<16xf32>
      %select_n3A_125 = arith.select %gt3A_124, %get3A_123, %select_n3A_116 : vector<16xi1>, vector<16xf32>
      %add3A_126 = arith.constant 192 : i32
      %add3A_127 = vector.broadcast %add3A_126 : i32 to vector<16xi32>
      %add3A_128 = arith.addi %add3A_127, %iota3A : vector<16xi32>
      %select_n3A_129 = arith.select %gt3A_124, %add3A_128, %select_n3A_120 : vector<16xi1>, vector<16xi32>
      %get3A_130 = arith.constant 208 : index
      %get3A_131 = tpu.vector_load %arg7[%get3A_130] {strides = array<i32>} : memref<512xf32, #tpu.memory_space<vmem>>, vector<16xf32>,
      %get3A_132 = vector.shape_cast %get3A_131 : vector<16xf32> to vector<16xf32>
      %gt3A_133 = arith.cmpf ogt, %get3A_132, %select_n3A_125 : vector<16xf32>
      %select_n3A_134 = arith.select %gt3A_133, %get3A_132, %select_n3A_125 : vector<16xi1>, vector<16xf32>
      %add3A_135 = arith.constant 208 : i32
      %add3A_136 = vector.broadcast %add3A_135 : i32 to vector<16xi32>
      %add3A_137 = arith.addi %add3A_136, %iota3A : vector<16xi32>
      %select_n3A_138 = arith.select %gt3A_133, %add3A_137, %select_n3A_129 : vector<16xi1>, vector<16xi32>
      %get3A_139 = arith.constant 224 : index
      %get3A_140 = tpu.vector_load %arg7[%get3A_139] {strides = array<i32>} : memref<512xf32, #tpu.memory_space<vmem>>, vector<16xf32>,
      %get3A_141 = vector.shape_cast %get3A_140 : vector<16xf32> to vector<16xf32>
      %gt3A_142 = arith.cmpf ogt, %get3A_141, %select_n3A_134 : vector<16xf32>
      %select_n3A_143 = arith.select %gt3A_142, %get3A_141, %select_n3A_134 : vector<16xi1>, vector<16xf32>
      %add3A_144 = arith.constant 224 : i32
      %add3A_145 = vector.broadcast %add3A_144 : i32 to vector<16xi32>
      %add3A_146 = arith.addi %add3A_145, %iota3A : vector<16xi32>
      %select_n3A_147 = arith.select %gt3A_142, %add3A_146, %select_n3A_138 : vector<16xi1>, vector<16xi32>
      %get3A_148 = arith.constant 240 : index
      %get3A_149 = tpu.vector_load %arg7[%get3A_148] {strides = array<i32>} : memref<512xf32, #tpu.memory_space<vmem>>, vector<16xf32>,
      %get3A_150 = vector.shape_cast %get3A_149 : vector<16xf32> to vector<16xf32>
      %gt3A_151 = arith.cmpf ogt, %get3A_150, %select_n3A_143 : vector<16xf32>
      %select_n3A_152 = arith.select %gt3A_151, %get3A_150, %select_n3A_143 : vector<16xi1>, vector<16xf32>
      %add3A_153 = arith.constant 240 : i32
      %add3A_154 = vector.broadcast %add3A_153 : i32 to vector<16xi32>
      %add3A_155 = arith.addi %add3A_154, %iota3A : vector<16xi32>
      %select_n3A_156 = arith.select %gt3A_151, %add3A_155, %select_n3A_147 : vector<16xi1>, vector<16xi32>
      %get3A_157 = arith.constant 256 : index
      %get3A_158 = tpu.vector_load %arg7[%get3A_157] {strides = array<i32>} : memref<512xf32, #tpu.memory_space<vmem>>, vector<16xf32>,
      %get3A_159 = vector.shape_cast %get3A_158 : vector<16xf32> to vector<16xf32>
      %gt3A_160 = arith.cmpf ogt, %get3A_159, %select_n3A_152 : vector<16xf32>
      %select_n3A_161 = arith.select %gt3A_160, %get3A_159, %select_n3A_152 : vector<16xi1>, vector<16xf32>
      %add3A_162 = arith.constant 256 : i32
      %add3A_163 = vector.broadcast %add3A_162 : i32 to vector<16xi32>
      %add3A_164 = arith.addi %add3A_163, %iota3A : vector<16xi32>
      %select_n3A_165 = arith.select %gt3A_160, %add3A_164, %select_n3A_156 : vector<16xi1>, vector<16xi32>
      %get3A_166 = arith.constant 272 : index
      %get3A_167 = tpu.vector_load %arg7[%get3A_166] {strides = array<i32>} : memref<512xf32, #tpu.memory_space<vmem>>, vector<16xf32>,
      %get3A_168 = vector.shape_cast %get3A_167 : vector<16xf32> to vector<16xf32>
      %gt3A_169 = arith.cmpf ogt, %get3A_168, %select_n3A_161 : vector<16xf32>
      %select_n3A_170 = arith.select %gt3A_169, %get3A_168, %select_n3A_161 : vector<16xi1>, vector<16xf32>
      %add3A_171 = arith.constant 272 : i32
      %add3A_172 = vector.broadcast %add3A_171 : i32 to vector<16xi32>
      %add3A_173 = arith.addi %add3A_172, %iota3A : vector<16xi32>
      %select_n3A_174 = arith.select %gt3A_169, %add3A_173, %select_n3A_165 : vector<16xi1>, vector<16xi32>
      %get3A_175 = arith.constant 288 : index
      %get3A_176 = tpu.vector_load %arg7[%get3A_175] {strides = array<i32>} : memref<512xf32, #tpu.memory_space<vmem>>, vector<16xf32>,
      %get3A_177 = vector.shape_cast %get3A_176 : vector<16xf32> to vector<16xf32>
      %gt3A_178 = arith.cmpf ogt, %get3A_177, %select_n3A_170 : vector<16xf32>
      %select_n3A_179 = arith.select %gt3A_178, %get3A_177, %select_n3A_170 : vector<16xi1>, vector<16xf32>
      %add3A_180 = arith.constant 288 : i32
      %add3A_181 = vector.broadcast %add3A_180 : i32 to vector<16xi32>
      %add3A_182 = arith.addi %add3A_181, %iota3A : vector<16xi32>
      %select_n3A_183 = arith.select %gt3A_178, %add3A_182, %select_n3A_174 : vector<16xi1>, vector<16xi32>
      %get3A_184 = arith.constant 304 : index
      %get3A_185 = tpu.vector_load %arg7[%get3A_184] {strides = array<i32>} : memref<512xf32, #tpu.memory_space<vmem>>, vector<16xf32>,
      %get3A_186 = vector.shape_cast %get3A_185 : vector<16xf32> to vector<16xf32>
      %gt3A_187 = arith.cmpf ogt, %get3A_186, %select_n3A_179 : vector<16xf32>
      %select_n3A_188 = arith.select %gt3A_187, %get3A_186, %select_n3A_179 : vector<16xi1>, vector<16xf32>
      %add3A_189 = arith.constant 304 : i32
      %add3A_190 = vector.broadcast %add3A_189 : i32 to vector<16xi32>
      %add3A_191 = arith.addi %add3A_190, %iota3A : vector<16xi32>
      %select_n3A_192 = arith.select %gt3A_187, %add3A_191, %select_n3A_183 : vector<16xi1>, vector<16xi32>
      %get3A_193 = arith.constant 320 : index
      %get3A_194 = tpu.vector_load %arg7[%get3A_193] {strides = array<i32>} : memref<512xf32, #tpu.memory_space<vmem>>, vector<16xf32>,
      %get3A_195 = vector.shape_cast %get3A_194 : vector<16xf32> to vector<16xf32>
      %gt3A_196 = arith.cmpf ogt, %get3A_195, %select_n3A_188 : vector<16xf32>
      %select_n3A_197 = arith.select %gt3A_196, %get3A_195, %select_n3A_188 : vector<16xi1>, vector<16xf32>
      %add3A_198 = arith.constant 320 : i32
      %add3A_199 = vector.broadcast %add3A_198 : i32 to vector<16xi32>
      %add3A_200 = arith.addi %add3A_199, %iota3A : vector<16xi32>
      %select_n3A_201 = arith.select %gt3A_196, %add3A_200, %select_n3A_192 : vector<16xi1>, vector<16xi32>
      %get3A_202 = arith.constant 336 : index
      %get3A_203 = tpu.vector_load %arg7[%get3A_202] {strides = array<i32>} : memref<512xf32, #tpu.memory_space<vmem>>, vector<16xf32>,
      %get3A_204 = vector.shape_cast %get3A_203 : vector<16xf32> to vector<16xf32>
      %gt3A_205 = arith.cmpf ogt, %get3A_204, %select_n3A_197 : vector<16xf32>
      %select_n3A_206 = arith.select %gt3A_205, %get3A_204, %select_n3A_197 : vector<16xi1>, vector<16xf32>
      %add3A_207 = arith.constant 336 : i32
      %add3A_208 = vector.broadcast %add3A_207 : i32 to vector<16xi32>
      %add3A_209 = arith.addi %add3A_208, %iota3A : vector<16xi32>
      %select_n3A_210 = arith.select %gt3A_205, %add3A_209, %select_n3A_201 : vector<16xi1>, vector<16xi32>
      %get3A_211 = arith.constant 352 : index
      %get3A_212 = tpu.vector_load %arg7[%get3A_211] {strides = array<i32>} : memref<512xf32, #tpu.memory_space<vmem>>, vector<16xf32>,
      %get3A_213 = vector.shape_cast %get3A_212 : vector<16xf32> to vector<16xf32>
      %gt3A_214 = arith.cmpf ogt, %get3A_213, %select_n3A_206 : vector<16xf32>
      %select_n3A_215 = arith.select %gt3A_214, %get3A_213, %select_n3A_206 : vector<16xi1>, vector<16xf32>
      %add3A_216 = arith.constant 352 : i32
      %add3A_217 = vector.broadcast %add3A_216 : i32 to vector<16xi32>
      %add3A_218 = arith.addi %add3A_217, %iota3A : vector<16xi32>
      %select_n3A_219 = arith.select %gt3A_214, %add3A_218, %select_n3A_210 : vector<16xi1>, vector<16xi32>
      %get3A_220 = arith.constant 368 : index
      %get3A_221 = tpu.vector_load %arg7[%get3A_220] {strides = array<i32>} : memref<512xf32, #tpu.memory_space<vmem>>, vector<16xf32>,
      %get3A_222 = vector.shape_cast %get3A_221 : vector<16xf32> to vector<16xf32>
      %gt3A_223 = arith.cmpf ogt, %get3A_222, %select_n3A_215 : vector<16xf32>
      %select_n3A_224 = arith.select %gt3A_223, %get3A_222, %select_n3A_215 : vector<16xi1>, vector<16xf32>
      %add3A_225 = arith.constant 368 : i32
      %add3A_226 = vector.broadcast %add3A_225 : i32 to vector<16xi32>
      %add3A_227 = arith.addi %add3A_226, %iota3A : vector<16xi32>
      %select_n3A_228 = arith.select %gt3A_223, %add3A_227, %select_n3A_219 : vector<16xi1>, vector<16xi32>
      %get3A_229 = arith.constant 384 : index
      %get3A_230 = tpu.vector_load %arg7[%get3A_229] {strides = array<i32>} : memref<512xf32, #tpu.memory_space<vmem>>, vector<16xf32>,
      %get3A_231 = vector.shape_cast %get3A_230 : vector<16xf32> to vector<16xf32>
      %gt3A_232 = arith.cmpf ogt, %get3A_231, %select_n3A_224 : vector<16xf32>
      %select_n3A_233 = arith.select %gt3A_232, %get3A_231, %select_n3A_224 : vector<16xi1>, vector<16xf32>
      %add3A_234 = arith.constant 384 : i32
      %add3A_235 = vector.broadcast %add3A_234 : i32 to vector<16xi32>
      %add3A_236 = arith.addi %add3A_235, %iota3A : vector<16xi32>
      %select_n3A_237 = arith.select %gt3A_232, %add3A_236, %select_n3A_228 : vector<16xi1>, vector<16xi32>
      %get3A_238 = arith.constant 400 : index
      %get3A_239 = tpu.vector_load %arg7[%get3A_238] {strides = array<i32>} : memref<512xf32, #tpu.memory_space<vmem>>, vector<16xf32>,
      %get3A_240 = vector.shape_cast %get3A_239 : vector<16xf32> to vector<16xf32>
      %gt3A_241 = arith.cmpf ogt, %get3A_240, %select_n3A_233 : vector<16xf32>
      %select_n3A_242 = arith.select %gt3A_241, %get3A_240, %select_n3A_233 : vector<16xi1>, vector<16xf32>
      %add3A_243 = arith.constant 400 : i32
      %add3A_244 = vector.broadcast %add3A_243 : i32 to vector<16xi32>
      %add3A_245 = arith.addi %add3A_244, %iota3A : vector<16xi32>
      %select_n3A_246 = arith.select %gt3A_241, %add3A_245, %select_n3A_237 : vector<16xi1>, vector<16xi32>
      %get3A_247 = arith.constant 416 : index
      %get3A_248 = tpu.vector_load %arg7[%get3A_247] {strides = array<i32>} : memref<512xf32, #tpu.memory_space<vmem>>, vector<16xf32>,
      %get3A_249 = vector.shape_cast %get3A_248 : vector<16xf32> to vector<16xf32>
      %gt3A_250 = arith.cmpf ogt, %get3A_249, %select_n3A_242 : vector<16xf32>
      %select_n3A_251 = arith.select %gt3A_250, %get3A_249, %select_n3A_242 : vector<16xi1>, vector<16xf32>
      %add3A_252 = arith.constant 416 : i32
      %add3A_253 = vector.broadcast %add3A_252 : i32 to vector<16xi32>
      %add3A_254 = arith.addi %add3A_253, %iota3A : vector<16xi32>
      %select_n3A_255 = arith.select %gt3A_250, %add3A_254, %select_n3A_246 : vector<16xi1>, vector<16xi32>
      %get3A_256 = arith.constant 432 : index
      %get3A_257 = tpu.vector_load %arg7[%get3A_256] {strides = array<i32>} : memref<512xf32, #tpu.memory_space<vmem>>, vector<16xf32>,
      %get3A_258 = vector.shape_cast %get3A_257 : vector<16xf32> to vector<16xf32>
      %gt3A_259 = arith.cmpf ogt, %get3A_258, %select_n3A_251 : vector<16xf32>
      %select_n3A_260 = arith.select %gt3A_259, %get3A_258, %select_n3A_251 : vector<16xi1>, vector<16xf32>
      %add3A_261 = arith.constant 432 : i32
      %add3A_262 = vector.broadcast %add3A_261 : i32 to vector<16xi32>
      %add3A_263 = arith.addi %add3A_262, %iota3A : vector<16xi32>
      %select_n3A_264 = arith.select %gt3A_259, %add3A_263, %select_n3A_255 : vector<16xi1>, vector<16xi32>
      %get3A_265 = arith.constant 448 : index
      %get3A_266 = tpu.vector_load %arg7[%get3A_265] {strides = array<i32>} : memref<512xf32, #tpu.memory_space<vmem>>, vector<16xf32>,
      %get3A_267 = vector.shape_cast %get3A_266 : vector<16xf32> to vector<16xf32>
      %gt3A_268 = arith.cmpf ogt, %get3A_267, %select_n3A_260 : vector<16xf32>
      %select_n3A_269 = arith.select %gt3A_268, %get3A_267, %select_n3A_260 : vector<16xi1>, vector<16xf32>
      %add3A_270 = arith.constant 448 : i32
      %add3A_271 = vector.broadcast %add3A_270 : i32 to vector<16xi32>
      %add3A_272 = arith.addi %add3A_271, %iota3A : vector<16xi32>
      %select_n3A_273 = arith.select %gt3A_268, %add3A_272, %select_n3A_264 : vector<16xi1>, vector<16xi32>
      %get3A_274 = arith.constant 464 : index
      %get3A_275 = tpu.vector_load %arg7[%get3A_274] {strides = array<i32>} : memref<512xf32, #tpu.memory_space<vmem>>, vector<16xf32>,
      %get3A_276 = vector.shape_cast %get3A_275 : vector<16xf32> to vector<16xf32>
      %gt3A_277 = arith.cmpf ogt, %get3A_276, %select_n3A_269 : vector<16xf32>
      %select_n3A_278 = arith.select %gt3A_277, %get3A_276, %select_n3A_269 : vector<16xi1>, vector<16xf32>
      %add3A_279 = arith.constant 464 : i32
      %add3A_280 = vector.broadcast %add3A_279 : i32 to vector<16xi32>
      %add3A_281 = arith.addi %add3A_280, %iota3A : vector<16xi32>
      %select_n3A_282 = arith.select %gt3A_277, %add3A_281, %select_n3A_273 : vector<16xi1>, vector<16xi32>
      %get3A_283 = arith.constant 480 : index
      %get3A_284 = tpu.vector_load %arg7[%get3A_283] {strides = array<i32>} : memref<512xf32, #tpu.memory_space<vmem>>, vector<16xf32>,
      %get3A_285 = vector.shape_cast %get3A_284 : vector<16xf32> to vector<16xf32>
      %gt3A_286 = arith.cmpf ogt, %get3A_285, %select_n3A_278 : vector<16xf32>
      %select_n3A_287 = arith.select %gt3A_286, %get3A_285, %select_n3A_278 : vector<16xi1>, vector<16xf32>
      %add3A_288 = arith.constant 480 : i32
      %add3A_289 = vector.broadcast %add3A_288 : i32 to vector<16xi32>
      %add3A_290 = arith.addi %add3A_289, %iota3A : vector<16xi32>
      %select_n3A_291 = arith.select %gt3A_286, %add3A_290, %select_n3A_282 : vector<16xi1>, vector<16xi32>
      %get3A_292 = arith.constant 496 : index
      %get3A_293 = tpu.vector_load %arg7[%get3A_292] {strides = array<i32>} : memref<512xf32, #tpu.memory_space<vmem>>, vector<16xf32>,
      %get3A_294 = vector.shape_cast %get3A_293 : vector<16xf32> to vector<16xf32>
      %gt3A_295 = arith.cmpf ogt, %get3A_294, %select_n3A_287 : vector<16xf32>
      %select_n3A_296 = arith.select %gt3A_295, %get3A_294, %select_n3A_287 : vector<16xi1>, vector<16xf32>
      %add3A_297 = arith.constant 496 : i32
      %add3A_298 = vector.broadcast %add3A_297 : i32 to vector<16xi32>
      %add3A_299 = arith.addi %add3A_298, %iota3A : vector<16xi32>
      %select_n3A_300 = arith.select %gt3A_295, %add3A_299, %select_n3A_291 : vector<16xi1>, vector<16xi32>
      %slice3A_301 = vector.extract_strided_slice %select_n3A_296 {offsets = [0], sizes = [1], strides = [1]} : vector<16xf32> to vector<1xf32>
      %squeeze3A_302 = vector.extract %slice3A_301[0] : f32 from vector<1xf32>
      %slice3A_303 = vector.extract_strided_slice %select_n3A_300 {offsets = [0], sizes = [1], strides = [1]} : vector<16xi32> to vector<1xi32>
      %squeeze3A_304 = vector.extract %slice3A_303[0] : i32 from vector<1xi32>
      %gt3A_305 = arith.constant 0xFF800000 : f32
      %gt3A_306 = arith.cmpf ogt, %squeeze3A_302, %gt3A_305 : f32
      %eq3A = arith.constant 0xFF800000 : f32
      %eq3A_307 = arith.cmpf oeq, %squeeze3A_302, %eq3A : f32
      %lt3A_308 = arith.cmpi slt, %squeeze3A_304, %squeeze3A : i32
      %and3A = arith.andi %eq3A_307, %lt3A_308 : i1
      %or3A = arith.ori %gt3A_306, %and3A : i1
      %jit3A = arith.constant 0xFF800000 : f32
      %select_n3A_309 = arith.select %or3A, %squeeze3A_302, %jit3A : f32
      %select_n3A_310 = arith.select %or3A, %squeeze3A_304, %squeeze3A : i32
      %slice3A_311 = vector.extract_strided_slice %select_n3A_296 {offsets = [1], sizes = [1], strides = [1]} : vector<16xf32> to vector<1xf32>
      %squeeze3A_312 = vector.extract %slice3A_311[0] : f32 from vector<1xf32>
      %slice3A_313 = vector.extract_strided_slice %select_n3A_300 {offsets = [1], sizes = [1], strides = [1]} : vector<16xi32> to vector<1xi32>
      %squeeze3A_314 = vector.extract %slice3A_313[0] : i32 from vector<1xi32>
      %gt3A_315 = arith.cmpf ogt, %squeeze3A_312, %select_n3A_309 : f32
      %eq3A_316 = arith.cmpf oeq, %squeeze3A_312, %select_n3A_309 : f32
      %lt3A_317 = arith.cmpi slt, %squeeze3A_314, %select_n3A_310 : i32
      %and3A_318 = arith.andi %eq3A_316, %lt3A_317 : i1
      %or3A_319 = arith.ori %gt3A_315, %and3A_318 : i1
      %select_n3A_320 = arith.select %or3A_319, %squeeze3A_312, %select_n3A_309 : f32
      %select_n3A_321 = arith.select %or3A_319, %squeeze3A_314, %select_n3A_310 : i32
      %slice3A_322 = vector.extract_strided_slice %select_n3A_296 {offsets = [2], sizes = [1], strides = [1]} : vector<16xf32> to vector<1xf32>
      %squeeze3A_323 = vector.extract %slice3A_322[0] : f32 from vector<1xf32>
      %slice3A_324 = vector.extract_strided_slice %select_n3A_300 {offsets = [2], sizes = [1], strides = [1]} : vector<16xi32> to vector<1xi32>
      %squeeze3A_325 = vector.extract %slice3A_324[0] : i32 from vector<1xi32>
      %gt3A_326 = arith.cmpf ogt, %squeeze3A_323, %select_n3A_320 : f32
      %eq3A_327 = arith.cmpf oeq, %squeeze3A_323, %select_n3A_320 : f32
      %lt3A_328 = arith.cmpi slt, %squeeze3A_325, %select_n3A_321 : i32
      %and3A_329 = arith.andi %eq3A_327, %lt3A_328 : i1
      %or3A_330 = arith.ori %gt3A_326, %and3A_329 : i1
      %select_n3A_331 = arith.select %or3A_330, %squeeze3A_323, %select_n3A_320 : f32
      %select_n3A_332 = arith.select %or3A_330, %squeeze3A_325, %select_n3A_321 : i32
      %slice3A_333 = vector.extract_strided_slice %select_n3A_296 {offsets = [3], sizes = [1], strides = [1]} : vector<16xf32> to vector<1xf32>
      %squeeze3A_334 = vector.extract %slice3A_333[0] : f32 from vector<1xf32>
      %slice3A_335 = vector.extract_strided_slice %select_n3A_300 {offsets = [3], sizes = [1], strides = [1]} : vector<16xi32> to vector<1xi32>
      %squeeze3A_336 = vector.extract %slice3A_335[0] : i32 from vector<1xi32>
      %gt3A_337 = arith.cmpf ogt, %squeeze3A_334, %select_n3A_331 : f32
      %eq3A_338 = arith.cmpf oeq, %squeeze3A_334, %select_n3A_331 : f32
      %lt3A_339 = arith.cmpi slt, %squeeze3A_336, %select_n3A_332 : i32
      %and3A_340 = arith.andi %eq3A_338, %lt3A_339 : i1
      %or3A_341 = arith.ori %gt3A_337, %and3A_340 : i1
      %select_n3A_342 = arith.select %or3A_341, %squeeze3A_334, %select_n3A_331 : f32
      %select_n3A_343 = arith.select %or3A_341, %squeeze3A_336, %select_n3A_332 : i32
      %slice3A_344 = vector.extract_strided_slice %select_n3A_296 {offsets = [4], sizes = [1], strides = [1]} : vector<16xf32> to vector<1xf32>
      %squeeze3A_345 = vector.extract %slice3A_344[0] : f32 from vector<1xf32>
      %slice3A_346 = vector.extract_strided_slice %select_n3A_300 {offsets = [4], sizes = [1], strides = [1]} : vector<16xi32> to vector<1xi32>
      %squeeze3A_347 = vector.extract %slice3A_346[0] : i32 from vector<1xi32>
      %gt3A_348 = arith.cmpf ogt, %squeeze3A_345, %select_n3A_342 : f32
      %eq3A_349 = arith.cmpf oeq, %squeeze3A_345, %select_n3A_342 : f32
      %lt3A_350 = arith.cmpi slt, %squeeze3A_347, %select_n3A_343 : i32
      %and3A_351 = arith.andi %eq3A_349, %lt3A_350 : i1
      %or3A_352 = arith.ori %gt3A_348, %and3A_351 : i1
      %select_n3A_353 = arith.select %or3A_352, %squeeze3A_345, %select_n3A_342 : f32
      %select_n3A_354 = arith.select %or3A_352, %squeeze3A_347, %select_n3A_343 : i32
      %slice3A_355 = vector.extract_strided_slice %select_n3A_296 {offsets = [5], sizes = [1], strides = [1]} : vector<16xf32> to vector<1xf32>
      %squeeze3A_356 = vector.extract %slice3A_355[0] : f32 from vector<1xf32>
      %slice3A_357 = vector.extract_strided_slice %select_n3A_300 {offsets = [5], sizes = [1], strides = [1]} : vector<16xi32> to vector<1xi32>
      %squeeze3A_358 = vector.extract %slice3A_357[0] : i32 from vector<1xi32>
      %gt3A_359 = arith.cmpf ogt, %squeeze3A_356, %select_n3A_353 : f32
      %eq3A_360 = arith.cmpf oeq, %squeeze3A_356, %select_n3A_353 : f32
      %lt3A_361 = arith.cmpi slt, %squeeze3A_358, %select_n3A_354 : i32
      %and3A_362 = arith.andi %eq3A_360, %lt3A_361 : i1
      %or3A_363 = arith.ori %gt3A_359, %and3A_362 : i1
      %select_n3A_364 = arith.select %or3A_363, %squeeze3A_356, %select_n3A_353 : f32
      %select_n3A_365 = arith.select %or3A_363, %squeeze3A_358, %select_n3A_354 : i32
      %slice3A_366 = vector.extract_strided_slice %select_n3A_296 {offsets = [6], sizes = [1], strides = [1]} : vector<16xf32> to vector<1xf32>
      %squeeze3A_367 = vector.extract %slice3A_366[0] : f32 from vector<1xf32>
      %slice3A_368 = vector.extract_strided_slice %select_n3A_300 {offsets = [6], sizes = [1], strides = [1]} : vector<16xi32> to vector<1xi32>
      %squeeze3A_369 = vector.extract %slice3A_368[0] : i32 from vector<1xi32>
      %gt3A_370 = arith.cmpf ogt, %squeeze3A_367, %select_n3A_364 : f32
      %eq3A_371 = arith.cmpf oeq, %squeeze3A_367, %select_n3A_364 : f32
      %lt3A_372 = arith.cmpi slt, %squeeze3A_369, %select_n3A_365 : i32
      %and3A_373 = arith.andi %eq3A_371, %lt3A_372 : i1
      %or3A_374 = arith.ori %gt3A_370, %and3A_373 : i1
      %select_n3A_375 = arith.select %or3A_374, %squeeze3A_367, %select_n3A_364 : f32
      %select_n3A_376 = arith.select %or3A_374, %squeeze3A_369, %select_n3A_365 : i32
      %slice3A_377 = vector.extract_strided_slice %select_n3A_296 {offsets = [7], sizes = [1], strides = [1]} : vector<16xf32> to vector<1xf32>
      %squeeze3A_378 = vector.extract %slice3A_377[0] : f32 from vector<1xf32>
      %slice3A_379 = vector.extract_strided_slice %select_n3A_300 {offsets = [7], sizes = [1], strides = [1]} : vector<16xi32> to vector<1xi32>
      %squeeze3A_380 = vector.extract %slice3A_379[0] : i32 from vector<1xi32>
      %gt3A_381 = arith.cmpf ogt, %squeeze3A_378, %select_n3A_375 : f32
      %eq3A_382 = arith.cmpf oeq, %squeeze3A_378, %select_n3A_375 : f32
      %lt3A_383 = arith.cmpi slt, %squeeze3A_380, %select_n3A_376 : i32
      %and3A_384 = arith.andi %eq3A_382, %lt3A_383 : i1
      %or3A_385 = arith.ori %gt3A_381, %and3A_384 : i1
      %select_n3A_386 = arith.select %or3A_385, %squeeze3A_378, %select_n3A_375 : f32
      %select_n3A_387 = arith.select %or3A_385, %squeeze3A_380, %select_n3A_376 : i32
      %slice3A_388 = vector.extract_strided_slice %select_n3A_296 {offsets = [8], sizes = [1], strides = [1]} : vector<16xf32> to vector<1xf32>
      %squeeze3A_389 = vector.extract %slice3A_388[0] : f32 from vector<1xf32>
      %slice3A_390 = vector.extract_strided_slice %select_n3A_300 {offsets = [8], sizes = [1], strides = [1]} : vector<16xi32> to vector<1xi32>
      %squeeze3A_391 = vector.extract %slice3A_390[0] : i32 from vector<1xi32>
      %gt3A_392 = arith.cmpf ogt, %squeeze3A_389, %select_n3A_386 : f32
      %eq3A_393 = arith.cmpf oeq, %squeeze3A_389, %select_n3A_386 : f32
      %lt3A_394 = arith.cmpi slt, %squeeze3A_391, %select_n3A_387 : i32
      %and3A_395 = arith.andi %eq3A_393, %lt3A_394 : i1
      %or3A_396 = arith.ori %gt3A_392, %and3A_395 : i1
      %select_n3A_397 = arith.select %or3A_396, %squeeze3A_389, %select_n3A_386 : f32
      %select_n3A_398 = arith.select %or3A_396, %squeeze3A_391, %select_n3A_387 : i32
      %slice3A_399 = vector.extract_strided_slice %select_n3A_296 {offsets = [9], sizes = [1], strides = [1]} : vector<16xf32> to vector<1xf32>
      %squeeze3A_400 = vector.extract %slice3A_399[0] : f32 from vector<1xf32>
      %slice3A_401 = vector.extract_strided_slice %select_n3A_300 {offsets = [9], sizes = [1], strides = [1]} : vector<16xi32> to vector<1xi32>
      %squeeze3A_402 = vector.extract %slice3A_401[0] : i32 from vector<1xi32>
      %gt3A_403 = arith.cmpf ogt, %squeeze3A_400, %select_n3A_397 : f32
      %eq3A_404 = arith.cmpf oeq, %squeeze3A_400, %select_n3A_397 : f32
      %lt3A_405 = arith.cmpi slt, %squeeze3A_402, %select_n3A_398 : i32
      %and3A_406 = arith.andi %eq3A_404, %lt3A_405 : i1
      %or3A_407 = arith.ori %gt3A_403, %and3A_406 : i1
      %select_n3A_408 = arith.select %or3A_407, %squeeze3A_400, %select_n3A_397 : f32
      %select_n3A_409 = arith.select %or3A_407, %squeeze3A_402, %select_n3A_398 : i32
      %slice3A_410 = vector.extract_strided_slice %select_n3A_296 {offsets = [10], sizes = [1], strides = [1]} : vector<16xf32> to vector<1xf32>
      %squeeze3A_411 = vector.extract %slice3A_410[0] : f32 from vector<1xf32>
      %slice3A_412 = vector.extract_strided_slice %select_n3A_300 {offsets = [10], sizes = [1], strides = [1]} : vector<16xi32> to vector<1xi32>
      %squeeze3A_413 = vector.extract %slice3A_412[0] : i32 from vector<1xi32>
      %gt3A_414 = arith.cmpf ogt, %squeeze3A_411, %select_n3A_408 : f32
      %eq3A_415 = arith.cmpf oeq, %squeeze3A_411, %select_n3A_408 : f32
      %lt3A_416 = arith.cmpi slt, %squeeze3A_413, %select_n3A_409 : i32
      %and3A_417 = arith.andi %eq3A_415, %lt3A_416 : i1
      %or3A_418 = arith.ori %gt3A_414, %and3A_417 : i1
      %select_n3A_419 = arith.select %or3A_418, %squeeze3A_411, %select_n3A_408 : f32
      %select_n3A_420 = arith.select %or3A_418, %squeeze3A_413, %select_n3A_409 : i32
      %slice3A_421 = vector.extract_strided_slice %select_n3A_296 {offsets = [11], sizes = [1], strides = [1]} : vector<16xf32> to vector<1xf32>
      %squeeze3A_422 = vector.extract %slice3A_421[0] : f32 from vector<1xf32>
      %slice3A_423 = vector.extract_strided_slice %select_n3A_300 {offsets = [11], sizes = [1], strides = [1]} : vector<16xi32> to vector<1xi32>
      %squeeze3A_424 = vector.extract %slice3A_423[0] : i32 from vector<1xi32>
      %gt3A_425 = arith.cmpf ogt, %squeeze3A_422, %select_n3A_419 : f32
      %eq3A_426 = arith.cmpf oeq, %squeeze3A_422, %select_n3A_419 : f32
      %lt3A_427 = arith.cmpi slt, %squeeze3A_424, %select_n3A_420 : i32
      %and3A_428 = arith.andi %eq3A_426, %lt3A_427 : i1
      %or3A_429 = arith.ori %gt3A_425, %and3A_428 : i1
      %select_n3A_430 = arith.select %or3A_429, %squeeze3A_422, %select_n3A_419 : f32
      %select_n3A_431 = arith.select %or3A_429, %squeeze3A_424, %select_n3A_420 : i32
      %slice3A_432 = vector.extract_strided_slice %select_n3A_296 {offsets = [12], sizes = [1], strides = [1]} : vector<16xf32> to vector<1xf32>
      %squeeze3A_433 = vector.extract %slice3A_432[0] : f32 from vector<1xf32>
      %slice3A_434 = vector.extract_strided_slice %select_n3A_300 {offsets = [12], sizes = [1], strides = [1]} : vector<16xi32> to vector<1xi32>
      %squeeze3A_435 = vector.extract %slice3A_434[0] : i32 from vector<1xi32>
      %gt3A_436 = arith.cmpf ogt, %squeeze3A_433, %select_n3A_430 : f32
      %eq3A_437 = arith.cmpf oeq, %squeeze3A_433, %select_n3A_430 : f32
      %lt3A_438 = arith.cmpi slt, %squeeze3A_435, %select_n3A_431 : i32
      %and3A_439 = arith.andi %eq3A_437, %lt3A_438 : i1
      %or3A_440 = arith.ori %gt3A_436, %and3A_439 : i1
      %select_n3A_441 = arith.select %or3A_440, %squeeze3A_433, %select_n3A_430 : f32
      %select_n3A_442 = arith.select %or3A_440, %squeeze3A_435, %select_n3A_431 : i32
      %slice3A_443 = vector.extract_strided_slice %select_n3A_296 {offsets = [13], sizes = [1], strides = [1]} : vector<16xf32> to vector<1xf32>
      %squeeze3A_444 = vector.extract %slice3A_443[0] : f32 from vector<1xf32>
      %slice3A_445 = vector.extract_strided_slice %select_n3A_300 {offsets = [13], sizes = [1], strides = [1]} : vector<16xi32> to vector<1xi32>
      %squeeze3A_446 = vector.extract %slice3A_445[0] : i32 from vector<1xi32>
      %gt3A_447 = arith.cmpf ogt, %squeeze3A_444, %select_n3A_441 : f32
      %eq3A_448 = arith.cmpf oeq, %squeeze3A_444, %select_n3A_441 : f32
      %lt3A_449 = arith.cmpi slt, %squeeze3A_446, %select_n3A_442 : i32
      %and3A_450 = arith.andi %eq3A_448, %lt3A_449 : i1
      %or3A_451 = arith.ori %gt3A_447, %and3A_450 : i1
      %select_n3A_452 = arith.select %or3A_451, %squeeze3A_444, %select_n3A_441 : f32
      %select_n3A_453 = arith.select %or3A_451, %squeeze3A_446, %select_n3A_442 : i32
      %slice3A_454 = vector.extract_strided_slice %select_n3A_296 {offsets = [14], sizes = [1], strides = [1]} : vector<16xf32> to vector<1xf32>
      %squeeze3A_455 = vector.extract %slice3A_454[0] : f32 from vector<1xf32>
      %slice3A_456 = vector.extract_strided_slice %select_n3A_300 {offsets = [14], sizes = [1], strides = [1]} : vector<16xi32> to vector<1xi32>
      %squeeze3A_457 = vector.extract %slice3A_456[0] : i32 from vector<1xi32>
      %gt3A_458 = arith.cmpf ogt, %squeeze3A_455, %select_n3A_452 : f32
      %eq3A_459 = arith.cmpf oeq, %squeeze3A_455, %select_n3A_452 : f32
      %lt3A_460 = arith.cmpi slt, %squeeze3A_457, %select_n3A_453 : i32
      %and3A_461 = arith.andi %eq3A_459, %lt3A_460 : i1
      %or3A_462 = arith.ori %gt3A_458, %and3A_461 : i1
      %select_n3A_463 = arith.select %or3A_462, %squeeze3A_455, %select_n3A_452 : f32
      %select_n3A_464 = arith.select %or3A_462, %squeeze3A_457, %select_n3A_453 : i32
      %slice3A_465 = vector.extract_strided_slice %select_n3A_296 {offsets = [15], sizes = [1], strides = [1]} : vector<16xf32> to vector<1xf32>
      %squeeze3A_466 = vector.extract %slice3A_465[0] : f32 from vector<1xf32>
      %slice3A_467 = vector.extract_strided_slice %select_n3A_300 {offsets = [15], sizes = [1], strides = [1]} : vector<16xi32> to vector<1xi32>
      %squeeze3A_468 = vector.extract %slice3A_467[0] : i32 from vector<1xi32>
      %gt3A_469 = arith.cmpf ogt, %squeeze3A_466, %select_n3A_463 : f32
      %eq3A_470 = arith.cmpf oeq, %squeeze3A_466, %select_n3A_463 : f32
      %lt3A_471 = arith.cmpi slt, %squeeze3A_468, %select_n3A_464 : i32
      %and3A_472 = arith.andi %eq3A_470, %lt3A_471 : i1
      %or3A_473 = arith.ori %gt3A_469, %and3A_472 : i1
      %select_n3A_474 = arith.select %or3A_473, %squeeze3A_466, %select_n3A_463 : f32
      %select_n3A_475 = arith.select %or3A_473, %squeeze3A_468, %select_n3A_464 : i32
      %min3A = arith.constant 5 : i32
      %min3A_476 = vector.broadcast %min3A : i32 to vector<16xi32>
      %min3A_477 = arith.minsi %iota3A, %min3A_476 : vector<16xi32>
      %mul3A_478 = arith.constant 512 : i32
      %mul3A_479 = vector.broadcast %mul3A_478 : i32 to vector<16xi32>
      %mul3A_480 = arith.muli %min3A_477, %mul3A_479 : vector<16xi32>
      %add3A_481 = vector.broadcast %select_n3A_475 : i32 to vector<16xi32>
      %add3A_482 = arith.addi %mul3A_480, %add3A_481 : vector<16xi32>
      %swap3A = arith.constant 0 : index
      %swap3A_483 = tpu.vector_load %arg8[%swap3A] {strides = array<i32>} : memref<16xi32, #tpu.memory_space<vmem>>, vector<16xi32>,
      %swap3A_484 = vector.shape_cast %swap3A_483 : vector<16xi32> to vector<16xi32>
      %swap3A_485 = vector.shape_cast %add3A_482 : vector<16xi32> to vector<16xi32>
      tpu.vector_store %arg8[%swap3A], %swap3A_485 {strides = array<i32>} : memref<16xi32, #tpu.memory_space<vmem>>, vector<16xi32>,
      %dma_start3A = arith.constant 0 : i32
      %dma_start3A_486 = arith.constant 0 : i32
      %dma_start3A_487 = tpu.memref_slice %arg3[%dma_start3A, %dma_start3A_486] : memref<3072x128xf32, #tpu.memory_space<hbm>> -> memref<3072x128xf32, #tpu.memory_space<hbm>>
      tpu.enqueue_indirect_dma source(%dma_start3A_487 : memref<3072x128xf32, #tpu.memory_space<hbm>>) target(%arg9 : memref<16x128xf32, #tpu.memory_space<vmem>>) offsets(%arg8 : memref<16xi32, #tpu.memory_space<vmem>>) semaphore(%arg12 : memref<!tpu.dma_semaphore, #tpu.memory_space<semaphore_mem>>)
      %dma_wait3A = arith.constant 0 : i32
      %dma_wait3A_488 = arith.constant 0 : i32
      %dma_wait3A_489 = tpu.memref_slice %arg3[%dma_wait3A, %dma_wait3A_488] : memref<3072x128xf32, #tpu.memory_space<hbm>> -> memref<3072x128xf32, #tpu.memory_space<hbm>>
      tpu.wait_indirect_dma semaphore(%arg12 : memref<!tpu.dma_semaphore, #tpu.memory_space<semaphore_mem>>) src(%dma_wait3A_489 : memref<3072x128xf32, #tpu.memory_space<hbm>>) dst(%arg9 : memref<16x128xf32, #tpu.memory_space<vmem>>)
      %get3A_490 = arith.constant 0 : index
      %get3A_491 = tpu.vector_load %arg10[%get3A_490] {strides = array<i32>} : memref<128xf32, #tpu.memory_space<vmem>>, vector<16xf32>,
      %get3A_492 = vector.shape_cast %get3A_491 : vector<16xf32> to vector<16xf32>
      %get3A_493 = arith.constant 0 : i32
      %get3A_494 = arith.index_cast %get3A_493 : i32 to index
      %get3A_495 = arith.constant 0 : index
      %get3A_496 = tpu.vector_load %arg9[%get3A_494, %get3A_495] {strides = array<i32>} : memref<16x128xf32, #tpu.memory_space<vmem>>, vector<1x16xf32>,
      %get3A_497 = vector.shape_cast %get3A_496 : vector<1x16xf32> to vector<16xf32>
      %mul3A_498 = arith.mulf %get3A_497, %get3A_492 : vector<16xf32>
      %swap3A_499 = arith.constant 0 : index
      %swap3A_500 = tpu.vector_load %arg11[%swap3A_499] {strides = array<i32>} : memref<768xf32, #tpu.memory_space<vmem>>, vector<16xf32>,
      %swap3A_501 = vector.shape_cast %swap3A_500 : vector<16xf32> to vector<16xf32>
      %swap3A_502 = vector.shape_cast %mul3A_498 : vector<16xf32> to vector<16xf32>
      tpu.vector_store %arg11[%swap3A_499], %swap3A_502 {strides = array<i32>} : memref<768xf32, #tpu.memory_space<vmem>>, vector<16xf32>,
      %get3A_503 = arith.constant 0 : i32
      %get3A_504 = arith.index_cast %get3A_503 : i32 to index
      %get3A_505 = arith.constant 16 : index
      %get3A_506 = tpu.vector_load %arg9[%get3A_504, %get3A_505] {strides = array<i32>} : memref<16x128xf32, #tpu.memory_space<vmem>>, vector<1x16xf32>,
      %get3A_507 = vector.shape_cast %get3A_506 : vector<1x16xf32> to vector<16xf32>
      %mul3A_508 = arith.mulf %get3A_507, %get3A_492 : vector<16xf32>
      %swap3A_509 = arith.constant 16 : index
      %swap3A_510 = tpu.vector_load %arg11[%swap3A_509] {strides = array<i32>} : memref<768xf32, #tpu.memory_space<vmem>>, vector<16xf32>,
      %swap3A_511 = vector.shape_cast %swap3A_510 : vector<16xf32> to vector<16xf32>
      %swap3A_512 = vector.shape_cast %mul3A_508 : vector<16xf32> to vector<16xf32>
      tpu.vector_store %arg11[%swap3A_509], %swap3A_512 {strides = array<i32>} : memref<768xf32, #tpu.memory_space<vmem>>, vector<16xf32>,
      %get3A_513 = arith.constant 0 : i32
      %get3A_514 = arith.index_cast %get3A_513 : i32 to index
      %get3A_515 = arith.constant 32 : index
      %get3A_516 = tpu.vector_load %arg9[%get3A_514, %get3A_515] {strides = array<i32>} : memref<16x128xf32, #tpu.memory_space<vmem>>, vector<1x16xf32>,
      %get3A_517 = vector.shape_cast %get3A_516 : vector<1x16xf32> to vector<16xf32>
      %mul3A_518 = arith.mulf %get3A_517, %get3A_492 : vector<16xf32>
      %swap3A_519 = arith.constant 32 : index
      %swap3A_520 = tpu.vector_load %arg11[%swap3A_519] {strides = array<i32>} : memref<768xf32, #tpu.memory_space<vmem>>, vector<16xf32>,
      %swap3A_521 = vector.shape_cast %swap3A_520 : vector<16xf32> to vector<16xf32>
      %swap3A_522 = vector.shape_cast %mul3A_518 : vector<16xf32> to vector<16xf32>
      tpu.vector_store %arg11[%swap3A_519], %swap3A_522 {strides = array<i32>} : memref<768xf32, #tpu.memory_space<vmem>>, vector<16xf32>,
      %get3A_523 = arith.constant 0 : i32
      %get3A_524 = arith.index_cast %get3A_523 : i32 to index
      %get3A_525 = arith.constant 48 : index
      %get3A_526 = tpu.vector_load %arg9[%get3A_524, %get3A_525] {strides = array<i32>} : memref<16x128xf32, #tpu.memory_space<vmem>>, vector<1x16xf32>,
      %get3A_527 = vector.shape_cast %get3A_526 : vector<1x16xf32> to vector<16xf32>
      %mul3A_528 = arith.mulf %get3A_527, %get3A_492 : vector<16xf32>
      %swap3A_529 = arith.constant 48 : index
      %swap3A_530 = tpu.vector_load %arg11[%swap3A_529] {strides = array<i32>} : memref<768xf32, #tpu.memory_space<vmem>>, vector<16xf32>,
      %swap3A_531 = vector.shape_cast %swap3A_530 : vector<16xf32> to vector<16xf32>
      %swap3A_532 = vector.shape_cast %mul3A_528 : vector<16xf32> to vector<16xf32>
      tpu.vector_store %arg11[%swap3A_529], %swap3A_532 {strides = array<i32>} : memref<768xf32, #tpu.memory_space<vmem>>, vector<16xf32>,
      %get3A_533 = arith.constant 0 : i32
      %get3A_534 = arith.index_cast %get3A_533 : i32 to index
      %get3A_535 = arith.constant 64 : index
      %get3A_536 = tpu.vector_load %arg9[%get3A_534, %get3A_535] {strides = array<i32>} : memref<16x128xf32, #tpu.memory_space<vmem>>, vector<1x16xf32>,
      %get3A_537 = vector.shape_cast %get3A_536 : vector<1x16xf32> to vector<16xf32>
      %mul3A_538 = arith.mulf %get3A_537, %get3A_492 : vector<16xf32>
      %swap3A_539 = arith.constant 64 : index
      %swap3A_540 = tpu.vector_load %arg11[%swap3A_539] {strides = array<i32>} : memref<768xf32, #tpu.memory_space<vmem>>, vector<16xf32>,
      %swap3A_541 = vector.shape_cast %swap3A_540 : vector<16xf32> to vector<16xf32>
      %swap3A_542 = vector.shape_cast %mul3A_538 : vector<16xf32> to vector<16xf32>
      tpu.vector_store %arg11[%swap3A_539], %swap3A_542 {strides = array<i32>} : memref<768xf32, #tpu.memory_space<vmem>>, vector<16xf32>,
      %get3A_543 = arith.constant 0 : i32
      %get3A_544 = arith.index_cast %get3A_543 : i32 to index
      %get3A_545 = arith.constant 80 : index
      %get3A_546 = tpu.vector_load %arg9[%get3A_544, %get3A_545] {strides = array<i32>} : memref<16x128xf32, #tpu.memory_space<vmem>>, vector<1x16xf32>,
      %get3A_547 = vector.shape_cast %get3A_546 : vector<1x16xf32> to vector<16xf32>
      %mul3A_548 = arith.mulf %get3A_547, %get3A_492 : vector<16xf32>
      %swap3A_549 = arith.constant 80 : index
      %swap3A_550 = tpu.vector_load %arg11[%swap3A_549] {strides = array<i32>} : memref<768xf32, #tpu.memory_space<vmem>>, vector<16xf32>,
      %swap3A_551 = vector.shape_cast %swap3A_550 : vector<16xf32> to vector<16xf32>
      %swap3A_552 = vector.shape_cast %mul3A_548 : vector<16xf32> to vector<16xf32>
      tpu.vector_store %arg11[%swap3A_549], %swap3A_552 {strides = array<i32>} : memref<768xf32, #tpu.memory_space<vmem>>, vector<16xf32>,
      %get3A_553 = arith.constant 0 : i32
      %get3A_554 = arith.index_cast %get3A_553 : i32 to index
      %get3A_555 = arith.constant 96 : index
      %get3A_556 = tpu.vector_load %arg9[%get3A_554, %get3A_555] {strides = array<i32>} : memref<16x128xf32, #tpu.memory_space<vmem>>, vector<1x16xf32>,
      %get3A_557 = vector.shape_cast %get3A_556 : vector<1x16xf32> to vector<16xf32>
      %mul3A_558 = arith.mulf %get3A_557, %get3A_492 : vector<16xf32>
      %swap3A_559 = arith.constant 96 : index
      %swap3A_560 = tpu.vector_load %arg11[%swap3A_559] {strides = array<i32>} : memref<768xf32, #tpu.memory_space<vmem>>, vector<16xf32>,
      %swap3A_561 = vector.shape_cast %swap3A_560 : vector<16xf32> to vector<16xf32>
      %swap3A_562 = vector.shape_cast %mul3A_558 : vector<16xf32> to vector<16xf32>
      tpu.vector_store %arg11[%swap3A_559], %swap3A_562 {strides = array<i32>} : memref<768xf32, #tpu.memory_space<vmem>>, vector<16xf32>,
      %get3A_563 = arith.constant 0 : i32
      %get3A_564 = arith.index_cast %get3A_563 : i32 to index
      %get3A_565 = arith.constant 112 : index
      %get3A_566 = tpu.vector_load %arg9[%get3A_564, %get3A_565] {strides = array<i32>} : memref<16x128xf32, #tpu.memory_space<vmem>>, vector<1x16xf32>,
      %get3A_567 = vector.shape_cast %get3A_566 : vector<1x16xf32> to vector<16xf32>
      %mul3A_568 = arith.mulf %get3A_567, %get3A_492 : vector<16xf32>
      %swap3A_569 = arith.constant 112 : index
      %swap3A_570 = tpu.vector_load %arg11[%swap3A_569] {strides = array<i32>} : memref<768xf32, #tpu.memory_space<vmem>>, vector<16xf32>,
      %swap3A_571 = vector.shape_cast %swap3A_570 : vector<16xf32> to vector<16xf32>
      %swap3A_572 = vector.shape_cast %mul3A_568 : vector<16xf32> to vector<16xf32>
      tpu.vector_store %arg11[%swap3A_569], %swap3A_572 {strides = array<i32>} : memref<768xf32, #tpu.memory_space<vmem>>, vector<16xf32>,
      %get3A_573 = arith.constant 1 : i32
      %get3A_574 = arith.index_cast %get3A_573 : i32 to index
      %get3A_575 = arith.constant 0 : index
      %get3A_576 = tpu.vector_load %arg9[%get3A_574, %get3A_575] {strides = array<i32>} : memref<16x128xf32, #tpu.memory_space<vmem>>, vector<1x16xf32>,
      %get3A_577 = vector.shape_cast %get3A_576 : vector<1x16xf32> to vector<16xf32>
      %mul3A_578 = arith.mulf %get3A_577, %get3A_492 : vector<16xf32>
      %swap3A_579 = arith.constant 128 : index
      %swap3A_580 = tpu.vector_load %arg11[%swap3A_579] {strides = array<i32>} : memref<768xf32, #tpu.memory_space<vmem>>, vector<16xf32>,
      %swap3A_581 = vector.shape_cast %swap3A_580 : vector<16xf32> to vector<16xf32>
      %swap3A_582 = vector.shape_cast %mul3A_578 : vector<16xf32> to vector<16xf32>
      tpu.vector_store %arg11[%swap3A_579], %swap3A_582 {strides = array<i32>} : memref<768xf32, #tpu.memory_space<vmem>>, vector<16xf32>,
      %get3A_583 = arith.constant 1 : i32
      %get3A_584 = arith.index_cast %get3A_583 : i32 to index
      %get3A_585 = arith.constant 16 : index
      %get3A_586 = tpu.vector_load %arg9[%get3A_584, %get3A_585] {strides = array<i32>} : memref<16x128xf32, #tpu.memory_space<vmem>>, vector<1x16xf32>,
      %get3A_587 = vector.shape_cast %get3A_586 : vector<1x16xf32> to vector<16xf32>
      %mul3A_588 = arith.mulf %get3A_587, %get3A_492 : vector<16xf32>
      %swap3A_589 = arith.constant 144 : index
      %swap3A_590 = tpu.vector_load %arg11[%swap3A_589] {strides = array<i32>} : memref<768xf32, #tpu.memory_space<vmem>>, vector<16xf32>,
      %swap3A_591 = vector.shape_cast %swap3A_590 : vector<16xf32> to vector<16xf32>
      %swap3A_592 = vector.shape_cast %mul3A_588 : vector<16xf32> to vector<16xf32>
      tpu.vector_store %arg11[%swap3A_589], %swap3A_592 {strides = array<i32>} : memref<768xf32, #tpu.memory_space<vmem>>, vector<16xf32>,
      %get3A_593 = arith.constant 1 : i32
      %get3A_594 = arith.index_cast %get3A_593 : i32 to index
      %get3A_595 = arith.constant 32 : index
      %get3A_596 = tpu.vector_load %arg9[%get3A_594, %get3A_595] {strides = array<i32>} : memref<16x128xf32, #tpu.memory_space<vmem>>, vector<1x16xf32>,
      %get3A_597 = vector.shape_cast %get3A_596 : vector<1x16xf32> to vector<16xf32>
      %mul3A_598 = arith.mulf %get3A_597, %get3A_492 : vector<16xf32>
      %swap3A_599 = arith.constant 160 : index
      %swap3A_600 = tpu.vector_load %arg11[%swap3A_599] {strides = array<i32>} : memref<768xf32, #tpu.memory_space<vmem>>, vector<16xf32>,
      %swap3A_601 = vector.shape_cast %swap3A_600 : vector<16xf32> to vector<16xf32>
      %swap3A_602 = vector.shape_cast %mul3A_598 : vector<16xf32> to vector<16xf32>
      tpu.vector_store %arg11[%swap3A_599], %swap3A_602 {strides = array<i32>} : memref<768xf32, #tpu.memory_space<vmem>>, vector<16xf32>,
      %get3A_603 = arith.constant 1 : i32
      %get3A_604 = arith.index_cast %get3A_603 : i32 to index
      %get3A_605 = arith.constant 48 : index
      %get3A_606 = tpu.vector_load %arg9[%get3A_604, %get3A_605] {strides = array<i32>} : memref<16x128xf32, #tpu.memory_space<vmem>>, vector<1x16xf32>,
      %get3A_607 = vector.shape_cast %get3A_606 : vector<1x16xf32> to vector<16xf32>
      %mul3A_608 = arith.mulf %get3A_607, %get3A_492 : vector<16xf32>
      %swap3A_609 = arith.constant 176 : index
      %swap3A_610 = tpu.vector_load %arg11[%swap3A_609] {strides = array<i32>} : memref<768xf32, #tpu.memory_space<vmem>>, vector<16xf32>,
      %swap3A_611 = vector.shape_cast %swap3A_610 : vector<16xf32> to vector<16xf32>
      %swap3A_612 = vector.shape_cast %mul3A_608 : vector<16xf32> to vector<16xf32>
      tpu.vector_store %arg11[%swap3A_609], %swap3A_612 {strides = array<i32>} : memref<768xf32, #tpu.memory_space<vmem>>, vector<16xf32>,
      %get3A_613 = arith.constant 1 : i32
      %get3A_614 = arith.index_cast %get3A_613 : i32 to index
      %get3A_615 = arith.constant 64 : index
      %get3A_616 = tpu.vector_load %arg9[%get3A_614, %get3A_615] {strides = array<i32>} : memref<16x128xf32, #tpu.memory_space<vmem>>, vector<1x16xf32>,
      %get3A_617 = vector.shape_cast %get3A_616 : vector<1x16xf32> to vector<16xf32>
      %mul3A_618 = arith.mulf %get3A_617, %get3A_492 : vector<16xf32>
      %swap3A_619 = arith.constant 192 : index
      %swap3A_620 = tpu.vector_load %arg11[%swap3A_619] {strides = array<i32>} : memref<768xf32, #tpu.memory_space<vmem>>, vector<16xf32>,
      %swap3A_621 = vector.shape_cast %swap3A_620 : vector<16xf32> to vector<16xf32>
      %swap3A_622 = vector.shape_cast %mul3A_618 : vector<16xf32> to vector<16xf32>
      tpu.vector_store %arg11[%swap3A_619], %swap3A_622 {strides = array<i32>} : memref<768xf32, #tpu.memory_space<vmem>>, vector<16xf32>,
      %get3A_623 = arith.constant 1 : i32
      %get3A_624 = arith.index_cast %get3A_623 : i32 to index
      %get3A_625 = arith.constant 80 : index
      %get3A_626 = tpu.vector_load %arg9[%get3A_624, %get3A_625] {strides = array<i32>} : memref<16x128xf32, #tpu.memory_space<vmem>>, vector<1x16xf32>,
      %get3A_627 = vector.shape_cast %get3A_626 : vector<1x16xf32> to vector<16xf32>
      %mul3A_628 = arith.mulf %get3A_627, %get3A_492 : vector<16xf32>
      %swap3A_629 = arith.constant 208 : index
      %swap3A_630 = tpu.vector_load %arg11[%swap3A_629] {strides = array<i32>} : memref<768xf32, #tpu.memory_space<vmem>>, vector<16xf32>,
      %swap3A_631 = vector.shape_cast %swap3A_630 : vector<16xf32> to vector<16xf32>
      %swap3A_632 = vector.shape_cast %mul3A_628 : vector<16xf32> to vector<16xf32>
      tpu.vector_store %arg11[%swap3A_629], %swap3A_632 {strides = array<i32>} : memref<768xf32, #tpu.memory_space<vmem>>, vector<16xf32>,
      %get3A_633 = arith.constant 1 : i32
      %get3A_634 = arith.index_cast %get3A_633 : i32 to index
      %get3A_635 = arith.constant 96 : index
      %get3A_636 = tpu.vector_load %arg9[%get3A_634, %get3A_635] {strides = array<i32>} : memref<16x128xf32, #tpu.memory_space<vmem>>, vector<1x16xf32>,
      %get3A_637 = vector.shape_cast %get3A_636 : vector<1x16xf32> to vector<16xf32>
      %mul3A_638 = arith.mulf %get3A_637, %get3A_492 : vector<16xf32>
      %swap3A_639 = arith.constant 224 : index
      %swap3A_640 = tpu.vector_load %arg11[%swap3A_639] {strides = array<i32>} : memref<768xf32, #tpu.memory_space<vmem>>, vector<16xf32>,
      %swap3A_641 = vector.shape_cast %swap3A_640 : vector<16xf32> to vector<16xf32>
      %swap3A_642 = vector.shape_cast %mul3A_638 : vector<16xf32> to vector<16xf32>
      tpu.vector_store %arg11[%swap3A_639], %swap3A_642 {strides = array<i32>} : memref<768xf32, #tpu.memory_space<vmem>>, vector<16xf32>,
      %get3A_643 = arith.constant 1 : i32
      %get3A_644 = arith.index_cast %get3A_643 : i32 to index
      %get3A_645 = arith.constant 112 : index
      %get3A_646 = tpu.vector_load %arg9[%get3A_644, %get3A_645] {strides = array<i32>} : memref<16x128xf32, #tpu.memory_space<vmem>>, vector<1x16xf32>,
      %get3A_647 = vector.shape_cast %get3A_646 : vector<1x16xf32> to vector<16xf32>
      %mul3A_648 = arith.mulf %get3A_647, %get3A_492 : vector<16xf32>
      %swap3A_649 = arith.constant 240 : index
      %swap3A_650 = tpu.vector_load %arg11[%swap3A_649] {strides = array<i32>} : memref<768xf32, #tpu.memory_space<vmem>>, vector<16xf32>,
      %swap3A_651 = vector.shape_cast %swap3A_650 : vector<16xf32> to vector<16xf32>
      %swap3A_652 = vector.shape_cast %mul3A_648 : vector<16xf32> to vector<16xf32>
      tpu.vector_store %arg11[%swap3A_649], %swap3A_652 {strides = array<i32>} : memref<768xf32, #tpu.memory_space<vmem>>, vector<16xf32>,
      %get3A_653 = arith.constant 2 : i32
      %get3A_654 = arith.index_cast %get3A_653 : i32 to index
      %get3A_655 = arith.constant 0 : index
      %get3A_656 = tpu.vector_load %arg9[%get3A_654, %get3A_655] {strides = array<i32>} : memref<16x128xf32, #tpu.memory_space<vmem>>, vector<1x16xf32>,
      %get3A_657 = vector.shape_cast %get3A_656 : vector<1x16xf32> to vector<16xf32>
      %mul3A_658 = arith.mulf %get3A_657, %get3A_492 : vector<16xf32>
      %swap3A_659 = arith.constant 256 : index
      %swap3A_660 = tpu.vector_load %arg11[%swap3A_659] {strides = array<i32>} : memref<768xf32, #tpu.memory_space<vmem>>, vector<16xf32>,
      %swap3A_661 = vector.shape_cast %swap3A_660 : vector<16xf32> to vector<16xf32>
      %swap3A_662 = vector.shape_cast %mul3A_658 : vector<16xf32> to vector<16xf32>
      tpu.vector_store %arg11[%swap3A_659], %swap3A_662 {strides = array<i32>} : memref<768xf32, #tpu.memory_space<vmem>>, vector<16xf32>,
      %get3A_663 = arith.constant 2 : i32
      %get3A_664 = arith.index_cast %get3A_663 : i32 to index
      %get3A_665 = arith.constant 16 : index
      %get3A_666 = tpu.vector_load %arg9[%get3A_664, %get3A_665] {strides = array<i32>} : memref<16x128xf32, #tpu.memory_space<vmem>>, vector<1x16xf32>,
      %get3A_667 = vector.shape_cast %get3A_666 : vector<1x16xf32> to vector<16xf32>
      %mul3A_668 = arith.mulf %get3A_667, %get3A_492 : vector<16xf32>
      %swap3A_669 = arith.constant 272 : index
      %swap3A_670 = tpu.vector_load %arg11[%swap3A_669] {strides = array<i32>} : memref<768xf32, #tpu.memory_space<vmem>>, vector<16xf32>,
      %swap3A_671 = vector.shape_cast %swap3A_670 : vector<16xf32> to vector<16xf32>
      %swap3A_672 = vector.shape_cast %mul3A_668 : vector<16xf32> to vector<16xf32>
      tpu.vector_store %arg11[%swap3A_669], %swap3A_672 {strides = array<i32>} : memref<768xf32, #tpu.memory_space<vmem>>, vector<16xf32>,
      %get3A_673 = arith.constant 2 : i32
      %get3A_674 = arith.index_cast %get3A_673 : i32 to index
      %get3A_675 = arith.constant 32 : index
      %get3A_676 = tpu.vector_load %arg9[%get3A_674, %get3A_675] {strides = array<i32>} : memref<16x128xf32, #tpu.memory_space<vmem>>, vector<1x16xf32>,
      %get3A_677 = vector.shape_cast %get3A_676 : vector<1x16xf32> to vector<16xf32>
      %mul3A_678 = arith.mulf %get3A_677, %get3A_492 : vector<16xf32>
      %swap3A_679 = arith.constant 288 : index
      %swap3A_680 = tpu.vector_load %arg11[%swap3A_679] {strides = array<i32>} : memref<768xf32, #tpu.memory_space<vmem>>, vector<16xf32>,
      %swap3A_681 = vector.shape_cast %swap3A_680 : vector<16xf32> to vector<16xf32>
      %swap3A_682 = vector.shape_cast %mul3A_678 : vector<16xf32> to vector<16xf32>
      tpu.vector_store %arg11[%swap3A_679], %swap3A_682 {strides = array<i32>} : memref<768xf32, #tpu.memory_space<vmem>>, vector<16xf32>,
      %get3A_683 = arith.constant 2 : i32
      %get3A_684 = arith.index_cast %get3A_683 : i32 to index
      %get3A_685 = arith.constant 48 : index
      %get3A_686 = tpu.vector_load %arg9[%get3A_684, %get3A_685] {strides = array<i32>} : memref<16x128xf32, #tpu.memory_space<vmem>>, vector<1x16xf32>,
      %get3A_687 = vector.shape_cast %get3A_686 : vector<1x16xf32> to vector<16xf32>
      %mul3A_688 = arith.mulf %get3A_687, %get3A_492 : vector<16xf32>
      %swap3A_689 = arith.constant 304 : index
      %swap3A_690 = tpu.vector_load %arg11[%swap3A_689] {strides = array<i32>} : memref<768xf32, #tpu.memory_space<vmem>>, vector<16xf32>,
      %swap3A_691 = vector.shape_cast %swap3A_690 : vector<16xf32> to vector<16xf32>
      %swap3A_692 = vector.shape_cast %mul3A_688 : vector<16xf32> to vector<16xf32>
      tpu.vector_store %arg11[%swap3A_689], %swap3A_692 {strides = array<i32>} : memref<768xf32, #tpu.memory_space<vmem>>, vector<16xf32>,
      %get3A_693 = arith.constant 2 : i32
      %get3A_694 = arith.index_cast %get3A_693 : i32 to index
      %get3A_695 = arith.constant 64 : index
      %get3A_696 = tpu.vector_load %arg9[%get3A_694, %get3A_695] {strides = array<i32>} : memref<16x128xf32, #tpu.memory_space<vmem>>, vector<1x16xf32>,
      %get3A_697 = vector.shape_cast %get3A_696 : vector<1x16xf32> to vector<16xf32>
      %mul3A_698 = arith.mulf %get3A_697, %get3A_492 : vector<16xf32>
      %swap3A_699 = arith.constant 320 : index
      %swap3A_700 = tpu.vector_load %arg11[%swap3A_699] {strides = array<i32>} : memref<768xf32, #tpu.memory_space<vmem>>, vector<16xf32>,
      %swap3A_701 = vector.shape_cast %swap3A_700 : vector<16xf32> to vector<16xf32>
      %swap3A_702 = vector.shape_cast %mul3A_698 : vector<16xf32> to vector<16xf32>
      tpu.vector_store %arg11[%swap3A_699], %swap3A_702 {strides = array<i32>} : memref<768xf32, #tpu.memory_space<vmem>>, vector<16xf32>,
      %get3A_703 = arith.constant 2 : i32
      %get3A_704 = arith.index_cast %get3A_703 : i32 to index
      %get3A_705 = arith.constant 80 : index
      %get3A_706 = tpu.vector_load %arg9[%get3A_704, %get3A_705] {strides = array<i32>} : memref<16x128xf32, #tpu.memory_space<vmem>>, vector<1x16xf32>,
      %get3A_707 = vector.shape_cast %get3A_706 : vector<1x16xf32> to vector<16xf32>
      %mul3A_708 = arith.mulf %get3A_707, %get3A_492 : vector<16xf32>
      %swap3A_709 = arith.constant 336 : index
      %swap3A_710 = tpu.vector_load %arg11[%swap3A_709] {strides = array<i32>} : memref<768xf32, #tpu.memory_space<vmem>>, vector<16xf32>,
      %swap3A_711 = vector.shape_cast %swap3A_710 : vector<16xf32> to vector<16xf32>
      %swap3A_712 = vector.shape_cast %mul3A_708 : vector<16xf32> to vector<16xf32>
      tpu.vector_store %arg11[%swap3A_709], %swap3A_712 {strides = array<i32>} : memref<768xf32, #tpu.memory_space<vmem>>, vector<16xf32>,
      %get3A_713 = arith.constant 2 : i32
      %get3A_714 = arith.index_cast %get3A_713 : i32 to index
      %get3A_715 = arith.constant 96 : index
      %get3A_716 = tpu.vector_load %arg9[%get3A_714, %get3A_715] {strides = array<i32>} : memref<16x128xf32, #tpu.memory_space<vmem>>, vector<1x16xf32>,
      %get3A_717 = vector.shape_cast %get3A_716 : vector<1x16xf32> to vector<16xf32>
      %mul3A_718 = arith.mulf %get3A_717, %get3A_492 : vector<16xf32>
      %swap3A_719 = arith.constant 352 : index
      %swap3A_720 = tpu.vector_load %arg11[%swap3A_719] {strides = array<i32>} : memref<768xf32, #tpu.memory_space<vmem>>, vector<16xf32>,
      %swap3A_721 = vector.shape_cast %swap3A_720 : vector<16xf32> to vector<16xf32>
      %swap3A_722 = vector.shape_cast %mul3A_718 : vector<16xf32> to vector<16xf32>
      tpu.vector_store %arg11[%swap3A_719], %swap3A_722 {strides = array<i32>} : memref<768xf32, #tpu.memory_space<vmem>>, vector<16xf32>,
      %get3A_723 = arith.constant 2 : i32
      %get3A_724 = arith.index_cast %get3A_723 : i32 to index
      %get3A_725 = arith.constant 112 : index
      %get3A_726 = tpu.vector_load %arg9[%get3A_724, %get3A_725] {strides = array<i32>} : memref<16x128xf32, #tpu.memory_space<vmem>>, vector<1x16xf32>,
      %get3A_727 = vector.shape_cast %get3A_726 : vector<1x16xf32> to vector<16xf32>
      %mul3A_728 = arith.mulf %get3A_727, %get3A_492 : vector<16xf32>
      %swap3A_729 = arith.constant 368 : index
      %swap3A_730 = tpu.vector_load %arg11[%swap3A_729] {strides = array<i32>} : memref<768xf32, #tpu.memory_space<vmem>>, vector<16xf32>,
      %swap3A_731 = vector.shape_cast %swap3A_730 : vector<16xf32> to vector<16xf32>
      %swap3A_732 = vector.shape_cast %mul3A_728 : vector<16xf32> to vector<16xf32>
      tpu.vector_store %arg11[%swap3A_729], %swap3A_732 {strides = array<i32>} : memref<768xf32, #tpu.memory_space<vmem>>, vector<16xf32>,
      %get3A_733 = arith.constant 3 : i32
      %get3A_734 = arith.index_cast %get3A_733 : i32 to index
      %get3A_735 = arith.constant 0 : index
      %get3A_736 = tpu.vector_load %arg9[%get3A_734, %get3A_735] {strides = array<i32>} : memref<16x128xf32, #tpu.memory_space<vmem>>, vector<1x16xf32>,
      %get3A_737 = vector.shape_cast %get3A_736 : vector<1x16xf32> to vector<16xf32>
      %mul3A_738 = arith.mulf %get3A_737, %get3A_492 : vector<16xf32>
      %swap3A_739 = arith.constant 384 : index
      %swap3A_740 = tpu.vector_load %arg11[%swap3A_739] {strides = array<i32>} : memref<768xf32, #tpu.memory_space<vmem>>, vector<16xf32>,
      %swap3A_741 = vector.shape_cast %swap3A_740 : vector<16xf32> to vector<16xf32>
      %swap3A_742 = vector.shape_cast %mul3A_738 : vector<16xf32> to vector<16xf32>
      tpu.vector_store %arg11[%swap3A_739], %swap3A_742 {strides = array<i32>} : memref<768xf32, #tpu.memory_space<vmem>>, vector<16xf32>,
      %get3A_743 = arith.constant 3 : i32
      %get3A_744 = arith.index_cast %get3A_743 : i32 to index
      %get3A_745 = arith.constant 16 : index
      %get3A_746 = tpu.vector_load %arg9[%get3A_744, %get3A_745] {strides = array<i32>} : memref<16x128xf32, #tpu.memory_space<vmem>>, vector<1x16xf32>,
      %get3A_747 = vector.shape_cast %get3A_746 : vector<1x16xf32> to vector<16xf32>
      %mul3A_748 = arith.mulf %get3A_747, %get3A_492 : vector<16xf32>
      %swap3A_749 = arith.constant 400 : index
      %swap3A_750 = tpu.vector_load %arg11[%swap3A_749] {strides = array<i32>} : memref<768xf32, #tpu.memory_space<vmem>>, vector<16xf32>,
      %swap3A_751 = vector.shape_cast %swap3A_750 : vector<16xf32> to vector<16xf32>
      %swap3A_752 = vector.shape_cast %mul3A_748 : vector<16xf32> to vector<16xf32>
      tpu.vector_store %arg11[%swap3A_749], %swap3A_752 {strides = array<i32>} : memref<768xf32, #tpu.memory_space<vmem>>, vector<16xf32>,
      %get3A_753 = arith.constant 3 : i32
      %get3A_754 = arith.index_cast %get3A_753 : i32 to index
      %get3A_755 = arith.constant 32 : index
      %get3A_756 = tpu.vector_load %arg9[%get3A_754, %get3A_755] {strides = array<i32>} : memref<16x128xf32, #tpu.memory_space<vmem>>, vector<1x16xf32>,
      %get3A_757 = vector.shape_cast %get3A_756 : vector<1x16xf32> to vector<16xf32>
      %mul3A_758 = arith.mulf %get3A_757, %get3A_492 : vector<16xf32>
      %swap3A_759 = arith.constant 416 : index
      %swap3A_760 = tpu.vector_load %arg11[%swap3A_759] {strides = array<i32>} : memref<768xf32, #tpu.memory_space<vmem>>, vector<16xf32>,
      %swap3A_761 = vector.shape_cast %swap3A_760 : vector<16xf32> to vector<16xf32>
      %swap3A_762 = vector.shape_cast %mul3A_758 : vector<16xf32> to vector<16xf32>
      tpu.vector_store %arg11[%swap3A_759], %swap3A_762 {strides = array<i32>} : memref<768xf32, #tpu.memory_space<vmem>>, vector<16xf32>,
      %get3A_763 = arith.constant 3 : i32
      %get3A_764 = arith.index_cast %get3A_763 : i32 to index
      %get3A_765 = arith.constant 48 : index
      %get3A_766 = tpu.vector_load %arg9[%get3A_764, %get3A_765] {strides = array<i32>} : memref<16x128xf32, #tpu.memory_space<vmem>>, vector<1x16xf32>,
      %get3A_767 = vector.shape_cast %get3A_766 : vector<1x16xf32> to vector<16xf32>
      %mul3A_768 = arith.mulf %get3A_767, %get3A_492 : vector<16xf32>
      %swap3A_769 = arith.constant 432 : index
      %swap3A_770 = tpu.vector_load %arg11[%swap3A_769] {strides = array<i32>} : memref<768xf32, #tpu.memory_space<vmem>>, vector<16xf32>,
      %swap3A_771 = vector.shape_cast %swap3A_770 : vector<16xf32> to vector<16xf32>
      %swap3A_772 = vector.shape_cast %mul3A_768 : vector<16xf32> to vector<16xf32>
      tpu.vector_store %arg11[%swap3A_769], %swap3A_772 {strides = array<i32>} : memref<768xf32, #tpu.memory_space<vmem>>, vector<16xf32>,
      %get3A_773 = arith.constant 3 : i32
      %get3A_774 = arith.index_cast %get3A_773 : i32 to index
      %get3A_775 = arith.constant 64 : index
      %get3A_776 = tpu.vector_load %arg9[%get3A_774, %get3A_775] {strides = array<i32>} : memref<16x128xf32, #tpu.memory_space<vmem>>, vector<1x16xf32>,
      %get3A_777 = vector.shape_cast %get3A_776 : vector<1x16xf32> to vector<16xf32>
      %mul3A_778 = arith.mulf %get3A_777, %get3A_492 : vector<16xf32>
      %swap3A_779 = arith.constant 448 : index
      %swap3A_780 = tpu.vector_load %arg11[%swap3A_779] {strides = array<i32>} : memref<768xf32, #tpu.memory_space<vmem>>, vector<16xf32>,
      %swap3A_781 = vector.shape_cast %swap3A_780 : vector<16xf32> to vector<16xf32>
      %swap3A_782 = vector.shape_cast %mul3A_778 : vector<16xf32> to vector<16xf32>
      tpu.vector_store %arg11[%swap3A_779], %swap3A_782 {strides = array<i32>} : memref<768xf32, #tpu.memory_space<vmem>>, vector<16xf32>,
      %get3A_783 = arith.constant 3 : i32
      %get3A_784 = arith.index_cast %get3A_783 : i32 to index
      %get3A_785 = arith.constant 80 : index
      %get3A_786 = tpu.vector_load %arg9[%get3A_784, %get3A_785] {strides = array<i32>} : memref<16x128xf32, #tpu.memory_space<vmem>>, vector<1x16xf32>,
      %get3A_787 = vector.shape_cast %get3A_786 : vector<1x16xf32> to vector<16xf32>
      %mul3A_788 = arith.mulf %get3A_787, %get3A_492 : vector<16xf32>
      %swap3A_789 = arith.constant 464 : index
      %swap3A_790 = tpu.vector_load %arg11[%swap3A_789] {strides = array<i32>} : memref<768xf32, #tpu.memory_space<vmem>>, vector<16xf32>,
      %swap3A_791 = vector.shape_cast %swap3A_790 : vector<16xf32> to vector<16xf32>
      %swap3A_792 = vector.shape_cast %mul3A_788 : vector<16xf32> to vector<16xf32>
      tpu.vector_store %arg11[%swap3A_789], %swap3A_792 {strides = array<i32>} : memref<768xf32, #tpu.memory_space<vmem>>, vector<16xf32>,
      %get3A_793 = arith.constant 3 : i32
      %get3A_794 = arith.index_cast %get3A_793 : i32 to index
      %get3A_795 = arith.constant 96 : index
      %get3A_796 = tpu.vector_load %arg9[%get3A_794, %get3A_795] {strides = array<i32>} : memref<16x128xf32, #tpu.memory_space<vmem>>, vector<1x16xf32>,
      %get3A_797 = vector.shape_cast %get3A_796 : vector<1x16xf32> to vector<16xf32>
      %mul3A_798 = arith.mulf %get3A_797, %get3A_492 : vector<16xf32>
      %swap3A_799 = arith.constant 480 : index
      %swap3A_800 = tpu.vector_load %arg11[%swap3A_799] {strides = array<i32>} : memref<768xf32, #tpu.memory_space<vmem>>, vector<16xf32>,
      %swap3A_801 = vector.shape_cast %swap3A_800 : vector<16xf32> to vector<16xf32>
      %swap3A_802 = vector.shape_cast %mul3A_798 : vector<16xf32> to vector<16xf32>
      tpu.vector_store %arg11[%swap3A_799], %swap3A_802 {strides = array<i32>} : memref<768xf32, #tpu.memory_space<vmem>>, vector<16xf32>,
      %get3A_803 = arith.constant 3 : i32
      %get3A_804 = arith.index_cast %get3A_803 : i32 to index
      %get3A_805 = arith.constant 112 : index
      %get3A_806 = tpu.vector_load %arg9[%get3A_804, %get3A_805] {strides = array<i32>} : memref<16x128xf32, #tpu.memory_space<vmem>>, vector<1x16xf32>,
      %get3A_807 = vector.shape_cast %get3A_806 : vector<1x16xf32> to vector<16xf32>
      %mul3A_808 = arith.mulf %get3A_807, %get3A_492 : vector<16xf32>
      %swap3A_809 = arith.constant 496 : index
      %swap3A_810 = tpu.vector_load %arg11[%swap3A_809] {strides = array<i32>} : memref<768xf32, #tpu.memory_space<vmem>>, vector<16xf32>,
      %swap3A_811 = vector.shape_cast %swap3A_810 : vector<16xf32> to vector<16xf32>
      %swap3A_812 = vector.shape_cast %mul3A_808 : vector<16xf32> to vector<16xf32>
      tpu.vector_store %arg11[%swap3A_809], %swap3A_812 {strides = array<i32>} : memref<768xf32, #tpu.memory_space<vmem>>, vector<16xf32>,
      %get3A_813 = arith.constant 4 : i32
      %get3A_814 = arith.index_cast %get3A_813 : i32 to index
      %get3A_815 = arith.constant 0 : index
      %get3A_816 = tpu.vector_load %arg9[%get3A_814, %get3A_815] {strides = array<i32>} : memref<16x128xf32, #tpu.memory_space<vmem>>, vector<1x16xf32>,
      %get3A_817 = vector.shape_cast %get3A_816 : vector<1x16xf32> to vector<16xf32>
      %mul3A_818 = arith.mulf %get3A_817, %get3A_492 : vector<16xf32>
      %swap3A_819 = arith.constant 512 : index
      %swap3A_820 = tpu.vector_load %arg11[%swap3A_819] {strides = array<i32>} : memref<768xf32, #tpu.memory_space<vmem>>, vector<16xf32>,
      %swap3A_821 = vector.shape_cast %swap3A_820 : vector<16xf32> to vector<16xf32>
      %swap3A_822 = vector.shape_cast %mul3A_818 : vector<16xf32> to vector<16xf32>
      tpu.vector_store %arg11[%swap3A_819], %swap3A_822 {strides = array<i32>} : memref<768xf32, #tpu.memory_space<vmem>>, vector<16xf32>,
      %get3A_823 = arith.constant 4 : i32
      %get3A_824 = arith.index_cast %get3A_823 : i32 to index
      %get3A_825 = arith.constant 16 : index
      %get3A_826 = tpu.vector_load %arg9[%get3A_824, %get3A_825] {strides = array<i32>} : memref<16x128xf32, #tpu.memory_space<vmem>>, vector<1x16xf32>,
      %get3A_827 = vector.shape_cast %get3A_826 : vector<1x16xf32> to vector<16xf32>
      %mul3A_828 = arith.mulf %get3A_827, %get3A_492 : vector<16xf32>
      %swap3A_829 = arith.constant 528 : index
      %swap3A_830 = tpu.vector_load %arg11[%swap3A_829] {strides = array<i32>} : memref<768xf32, #tpu.memory_space<vmem>>, vector<16xf32>,
      %swap3A_831 = vector.shape_cast %swap3A_830 : vector<16xf32> to vector<16xf32>
      %swap3A_832 = vector.shape_cast %mul3A_828 : vector<16xf32> to vector<16xf32>
      tpu.vector_store %arg11[%swap3A_829], %swap3A_832 {strides = array<i32>} : memref<768xf32, #tpu.memory_space<vmem>>, vector<16xf32>,
      %get3A_833 = arith.constant 4 : i32
      %get3A_834 = arith.index_cast %get3A_833 : i32 to index
      %get3A_835 = arith.constant 32 : index
      %get3A_836 = tpu.vector_load %arg9[%get3A_834, %get3A_835] {strides = array<i32>} : memref<16x128xf32, #tpu.memory_space<vmem>>, vector<1x16xf32>,
      %get3A_837 = vector.shape_cast %get3A_836 : vector<1x16xf32> to vector<16xf32>
      %mul3A_838 = arith.mulf %get3A_837, %get3A_492 : vector<16xf32>
      %swap3A_839 = arith.constant 544 : index
      %swap3A_840 = tpu.vector_load %arg11[%swap3A_839] {strides = array<i32>} : memref<768xf32, #tpu.memory_space<vmem>>, vector<16xf32>,
      %swap3A_841 = vector.shape_cast %swap3A_840 : vector<16xf32> to vector<16xf32>
      %swap3A_842 = vector.shape_cast %mul3A_838 : vector<16xf32> to vector<16xf32>
      tpu.vector_store %arg11[%swap3A_839], %swap3A_842 {strides = array<i32>} : memref<768xf32, #tpu.memory_space<vmem>>, vector<16xf32>,
      %get3A_843 = arith.constant 4 : i32
      %get3A_844 = arith.index_cast %get3A_843 : i32 to index
      %get3A_845 = arith.constant 48 : index
      %get3A_846 = tpu.vector_load %arg9[%get3A_844, %get3A_845] {strides = array<i32>} : memref<16x128xf32, #tpu.memory_space<vmem>>, vector<1x16xf32>,
      %get3A_847 = vector.shape_cast %get3A_846 : vector<1x16xf32> to vector<16xf32>
      %mul3A_848 = arith.mulf %get3A_847, %get3A_492 : vector<16xf32>
      %swap3A_849 = arith.constant 560 : index
      %swap3A_850 = tpu.vector_load %arg11[%swap3A_849] {strides = array<i32>} : memref<768xf32, #tpu.memory_space<vmem>>, vector<16xf32>,
      %swap3A_851 = vector.shape_cast %swap3A_850 : vector<16xf32> to vector<16xf32>
      %swap3A_852 = vector.shape_cast %mul3A_848 : vector<16xf32> to vector<16xf32>
      tpu.vector_store %arg11[%swap3A_849], %swap3A_852 {strides = array<i32>} : memref<768xf32, #tpu.memory_space<vmem>>, vector<16xf32>,
      %get3A_853 = arith.constant 4 : i32
      %get3A_854 = arith.index_cast %get3A_853 : i32 to index
      %get3A_855 = arith.constant 64 : index
      %get3A_856 = tpu.vector_load %arg9[%get3A_854, %get3A_855] {strides = array<i32>} : memref<16x128xf32, #tpu.memory_space<vmem>>, vector<1x16xf32>,
      %get3A_857 = vector.shape_cast %get3A_856 : vector<1x16xf32> to vector<16xf32>
      %mul3A_858 = arith.mulf %get3A_857, %get3A_492 : vector<16xf32>
      %swap3A_859 = arith.constant 576 : index
      %swap3A_860 = tpu.vector_load %arg11[%swap3A_859] {strides = array<i32>} : memref<768xf32, #tpu.memory_space<vmem>>, vector<16xf32>,
      %swap3A_861 = vector.shape_cast %swap3A_860 : vector<16xf32> to vector<16xf32>
      %swap3A_862 = vector.shape_cast %mul3A_858 : vector<16xf32> to vector<16xf32>
      tpu.vector_store %arg11[%swap3A_859], %swap3A_862 {strides = array<i32>} : memref<768xf32, #tpu.memory_space<vmem>>, vector<16xf32>,
      %get3A_863 = arith.constant 4 : i32
      %get3A_864 = arith.index_cast %get3A_863 : i32 to index
      %get3A_865 = arith.constant 80 : index
      %get3A_866 = tpu.vector_load %arg9[%get3A_864, %get3A_865] {strides = array<i32>} : memref<16x128xf32, #tpu.memory_space<vmem>>, vector<1x16xf32>,
      %get3A_867 = vector.shape_cast %get3A_866 : vector<1x16xf32> to vector<16xf32>
      %mul3A_868 = arith.mulf %get3A_867, %get3A_492 : vector<16xf32>
      %swap3A_869 = arith.constant 592 : index
      %swap3A_870 = tpu.vector_load %arg11[%swap3A_869] {strides = array<i32>} : memref<768xf32, #tpu.memory_space<vmem>>, vector<16xf32>,
      %swap3A_871 = vector.shape_cast %swap3A_870 : vector<16xf32> to vector<16xf32>
      %swap3A_872 = vector.shape_cast %mul3A_868 : vector<16xf32> to vector<16xf32>
      tpu.vector_store %arg11[%swap3A_869], %swap3A_872 {strides = array<i32>} : memref<768xf32, #tpu.memory_space<vmem>>, vector<16xf32>,
      %get3A_873 = arith.constant 4 : i32
      %get3A_874 = arith.index_cast %get3A_873 : i32 to index
      %get3A_875 = arith.constant 96 : index
      %get3A_876 = tpu.vector_load %arg9[%get3A_874, %get3A_875] {strides = array<i32>} : memref<16x128xf32, #tpu.memory_space<vmem>>, vector<1x16xf32>,
      %get3A_877 = vector.shape_cast %get3A_876 : vector<1x16xf32> to vector<16xf32>
      %mul3A_878 = arith.mulf %get3A_877, %get3A_492 : vector<16xf32>
      %swap3A_879 = arith.constant 608 : index
      %swap3A_880 = tpu.vector_load %arg11[%swap3A_879] {strides = array<i32>} : memref<768xf32, #tpu.memory_space<vmem>>, vector<16xf32>,
      %swap3A_881 = vector.shape_cast %swap3A_880 : vector<16xf32> to vector<16xf32>
      %swap3A_882 = vector.shape_cast %mul3A_878 : vector<16xf32> to vector<16xf32>
      tpu.vector_store %arg11[%swap3A_879], %swap3A_882 {strides = array<i32>} : memref<768xf32, #tpu.memory_space<vmem>>, vector<16xf32>,
      %get3A_883 = arith.constant 4 : i32
      %get3A_884 = arith.index_cast %get3A_883 : i32 to index
      %get3A_885 = arith.constant 112 : index
      %get3A_886 = tpu.vector_load %arg9[%get3A_884, %get3A_885] {strides = array<i32>} : memref<16x128xf32, #tpu.memory_space<vmem>>, vector<1x16xf32>,
      %get3A_887 = vector.shape_cast %get3A_886 : vector<1x16xf32> to vector<16xf32>
      %mul3A_888 = arith.mulf %get3A_887, %get3A_492 : vector<16xf32>
      %swap3A_889 = arith.constant 624 : index
      %swap3A_890 = tpu.vector_load %arg11[%swap3A_889] {strides = array<i32>} : memref<768xf32, #tpu.memory_space<vmem>>, vector<16xf32>,
      %swap3A_891 = vector.shape_cast %swap3A_890 : vector<16xf32> to vector<16xf32>
      %swap3A_892 = vector.shape_cast %mul3A_888 : vector<16xf32> to vector<16xf32>
      tpu.vector_store %arg11[%swap3A_889], %swap3A_892 {strides = array<i32>} : memref<768xf32, #tpu.memory_space<vmem>>, vector<16xf32>,
      %get3A_893 = arith.constant 5 : i32
      %get3A_894 = arith.index_cast %get3A_893 : i32 to index
      %get3A_895 = arith.constant 0 : index
      %get3A_896 = tpu.vector_load %arg9[%get3A_894, %get3A_895] {strides = array<i32>} : memref<16x128xf32, #tpu.memory_space<vmem>>, vector<1x16xf32>,
      %get3A_897 = vector.shape_cast %get3A_896 : vector<1x16xf32> to vector<16xf32>
      %mul3A_898 = arith.mulf %get3A_897, %get3A_492 : vector<16xf32>
      %swap3A_899 = arith.constant 640 : index
      %swap3A_900 = tpu.vector_load %arg11[%swap3A_899] {strides = array<i32>} : memref<768xf32, #tpu.memory_space<vmem>>, vector<16xf32>,
      %swap3A_901 = vector.shape_cast %swap3A_900 : vector<16xf32> to vector<16xf32>
      %swap3A_902 = vector.shape_cast %mul3A_898 : vector<16xf32> to vector<16xf32>
      tpu.vector_store %arg11[%swap3A_899], %swap3A_902 {strides = array<i32>} : memref<768xf32, #tpu.memory_space<vmem>>, vector<16xf32>,
      %get3A_903 = arith.constant 5 : i32
      %get3A_904 = arith.index_cast %get3A_903 : i32 to index
      %get3A_905 = arith.constant 16 : index
      %get3A_906 = tpu.vector_load %arg9[%get3A_904, %get3A_905] {strides = array<i32>} : memref<16x128xf32, #tpu.memory_space<vmem>>, vector<1x16xf32>,
      %get3A_907 = vector.shape_cast %get3A_906 : vector<1x16xf32> to vector<16xf32>
      %mul3A_908 = arith.mulf %get3A_907, %get3A_492 : vector<16xf32>
      %swap3A_909 = arith.constant 656 : index
      %swap3A_910 = tpu.vector_load %arg11[%swap3A_909] {strides = array<i32>} : memref<768xf32, #tpu.memory_space<vmem>>, vector<16xf32>,
      %swap3A_911 = vector.shape_cast %swap3A_910 : vector<16xf32> to vector<16xf32>
      %swap3A_912 = vector.shape_cast %mul3A_908 : vector<16xf32> to vector<16xf32>
      tpu.vector_store %arg11[%swap3A_909], %swap3A_912 {strides = array<i32>} : memref<768xf32, #tpu.memory_space<vmem>>, vector<16xf32>,
      %get3A_913 = arith.constant 5 : i32
      %get3A_914 = arith.index_cast %get3A_913 : i32 to index
      %get3A_915 = arith.constant 32 : index
      %get3A_916 = tpu.vector_load %arg9[%get3A_914, %get3A_915] {strides = array<i32>} : memref<16x128xf32, #tpu.memory_space<vmem>>, vector<1x16xf32>,
      %get3A_917 = vector.shape_cast %get3A_916 : vector<1x16xf32> to vector<16xf32>
      %mul3A_918 = arith.mulf %get3A_917, %get3A_492 : vector<16xf32>
      %swap3A_919 = arith.constant 672 : index
      %swap3A_920 = tpu.vector_load %arg11[%swap3A_919] {strides = array<i32>} : memref<768xf32, #tpu.memory_space<vmem>>, vector<16xf32>,
      %swap3A_921 = vector.shape_cast %swap3A_920 : vector<16xf32> to vector<16xf32>
      %swap3A_922 = vector.shape_cast %mul3A_918 : vector<16xf32> to vector<16xf32>
      tpu.vector_store %arg11[%swap3A_919], %swap3A_922 {strides = array<i32>} : memref<768xf32, #tpu.memory_space<vmem>>, vector<16xf32>,
      %get3A_923 = arith.constant 5 : i32
      %get3A_924 = arith.index_cast %get3A_923 : i32 to index
      %get3A_925 = arith.constant 48 : index
      %get3A_926 = tpu.vector_load %arg9[%get3A_924, %get3A_925] {strides = array<i32>} : memref<16x128xf32, #tpu.memory_space<vmem>>, vector<1x16xf32>,
      %get3A_927 = vector.shape_cast %get3A_926 : vector<1x16xf32> to vector<16xf32>
      %mul3A_928 = arith.mulf %get3A_927, %get3A_492 : vector<16xf32>
      %swap3A_929 = arith.constant 688 : index
      %swap3A_930 = tpu.vector_load %arg11[%swap3A_929] {strides = array<i32>} : memref<768xf32, #tpu.memory_space<vmem>>, vector<16xf32>,
      %swap3A_931 = vector.shape_cast %swap3A_930 : vector<16xf32> to vector<16xf32>
      %swap3A_932 = vector.shape_cast %mul3A_928 : vector<16xf32> to vector<16xf32>
      tpu.vector_store %arg11[%swap3A_929], %swap3A_932 {strides = array<i32>} : memref<768xf32, #tpu.memory_space<vmem>>, vector<16xf32>,
      %get3A_933 = arith.constant 5 : i32
      %get3A_934 = arith.index_cast %get3A_933 : i32 to index
      %get3A_935 = arith.constant 64 : index
      %get3A_936 = tpu.vector_load %arg9[%get3A_934, %get3A_935] {strides = array<i32>} : memref<16x128xf32, #tpu.memory_space<vmem>>, vector<1x16xf32>,
      %get3A_937 = vector.shape_cast %get3A_936 : vector<1x16xf32> to vector<16xf32>
      %mul3A_938 = arith.mulf %get3A_937, %get3A_492 : vector<16xf32>
      %swap3A_939 = arith.constant 704 : index
      %swap3A_940 = tpu.vector_load %arg11[%swap3A_939] {strides = array<i32>} : memref<768xf32, #tpu.memory_space<vmem>>, vector<16xf32>,
      %swap3A_941 = vector.shape_cast %swap3A_940 : vector<16xf32> to vector<16xf32>
      %swap3A_942 = vector.shape_cast %mul3A_938 : vector<16xf32> to vector<16xf32>
      tpu.vector_store %arg11[%swap3A_939], %swap3A_942 {strides = array<i32>} : memref<768xf32, #tpu.memory_space<vmem>>, vector<16xf32>,
      %get3A_943 = arith.constant 5 : i32
      %get3A_944 = arith.index_cast %get3A_943 : i32 to index
      %get3A_945 = arith.constant 80 : index
      %get3A_946 = tpu.vector_load %arg9[%get3A_944, %get3A_945] {strides = array<i32>} : memref<16x128xf32, #tpu.memory_space<vmem>>, vector<1x16xf32>,
      %get3A_947 = vector.shape_cast %get3A_946 : vector<1x16xf32> to vector<16xf32>
      %mul3A_948 = arith.mulf %get3A_947, %get3A_492 : vector<16xf32>
      %swap3A_949 = arith.constant 720 : index
      %swap3A_950 = tpu.vector_load %arg11[%swap3A_949] {strides = array<i32>} : memref<768xf32, #tpu.memory_space<vmem>>, vector<16xf32>,
      %swap3A_951 = vector.shape_cast %swap3A_950 : vector<16xf32> to vector<16xf32>
      %swap3A_952 = vector.shape_cast %mul3A_948 : vector<16xf32> to vector<16xf32>
      tpu.vector_store %arg11[%swap3A_949], %swap3A_952 {strides = array<i32>} : memref<768xf32, #tpu.memory_space<vmem>>, vector<16xf32>,
      %get3A_953 = arith.constant 5 : i32
      %get3A_954 = arith.index_cast %get3A_953 : i32 to index
      %get3A_955 = arith.constant 96 : index
      %get3A_956 = tpu.vector_load %arg9[%get3A_954, %get3A_955] {strides = array<i32>} : memref<16x128xf32, #tpu.memory_space<vmem>>, vector<1x16xf32>,
      %get3A_957 = vector.shape_cast %get3A_956 : vector<1x16xf32> to vector<16xf32>
      %mul3A_958 = arith.mulf %get3A_957, %get3A_492 : vector<16xf32>
      %swap3A_959 = arith.constant 736 : index
      %swap3A_960 = tpu.vector_load %arg11[%swap3A_959] {strides = array<i32>} : memref<768xf32, #tpu.memory_space<vmem>>, vector<16xf32>,
      %swap3A_961 = vector.shape_cast %swap3A_960 : vector<16xf32> to vector<16xf32>
      %swap3A_962 = vector.shape_cast %mul3A_958 : vector<16xf32> to vector<16xf32>
      tpu.vector_store %arg11[%swap3A_959], %swap3A_962 {strides = array<i32>} : memref<768xf32, #tpu.memory_space<vmem>>, vector<16xf32>,
      %get3A_963 = arith.constant 5 : i32
      %get3A_964 = arith.index_cast %get3A_963 : i32 to index
      %get3A_965 = arith.constant 112 : index
      %get3A_966 = tpu.vector_load %arg9[%get3A_964, %get3A_965] {strides = array<i32>} : memref<16x128xf32, #tpu.memory_space<vmem>>, vector<1x16xf32>,
      %get3A_967 = vector.shape_cast %get3A_966 : vector<1x16xf32> to vector<16xf32>
      %mul3A_968 = arith.mulf %get3A_967, %get3A_492 : vector<16xf32>
      %swap3A_969 = arith.constant 752 : index
      %swap3A_970 = tpu.vector_load %arg11[%swap3A_969] {strides = array<i32>} : memref<768xf32, #tpu.memory_space<vmem>>, vector<16xf32>,
      %swap3A_971 = vector.shape_cast %swap3A_970 : vector<16xf32> to vector<16xf32>
      %swap3A_972 = vector.shape_cast %mul3A_968 : vector<16xf32> to vector<16xf32>
      tpu.vector_store %arg11[%swap3A_969], %swap3A_972 {strides = array<i32>} : memref<768xf32, #tpu.memory_space<vmem>>, vector<16xf32>,
      "tpu.region"() ({
        %run_scoped3A = tpu.sem_alloc : memref<!tpu.dma_semaphore, #tpu.memory_space<semaphore_mem>>
        %dma_start3A_973 = arith.constant 0 : i32
        %dma_start3A_974 = tpu.memref_slice %arg6[%add3A, %dma_start3A_973] : memref<8x768xf32, #tpu.memory_space<hbm>> -> memref<1x768xf32, #tpu.memory_space<hbm>>
        %dma_start3A_975 = tpu.memref_squeeze %dma_start3A_974 : memref<1x768xf32, #tpu.memory_space<hbm>> -> memref<768xf32, #tpu.memory_space<hbm>>
        %dma_start3A_976 = arith.constant 0 : i32
        %dma_start3A_977 = tpu.memref_slice %arg6[%add3A, %dma_start3A_976] : memref<8x768xf32, #tpu.memory_space<hbm>> -> memref<1x768xf32, #tpu.memory_space<hbm>>
        %dma_start3A_978 = tpu.memref_squeeze %dma_start3A_977 : memref<1x768xf32, #tpu.memory_space<hbm>> -> memref<768xf32, #tpu.memory_space<hbm>>
        tpu.enqueue_dma source(%arg11 : memref<768xf32, #tpu.memory_space<vmem>>) target(%dma_start3A_978 : memref<768xf32, #tpu.memory_space<hbm>>) target_semaphore(%run_scoped3A : memref<!tpu.dma_semaphore, #tpu.memory_space<semaphore_mem>>)
        %dma_wait3A_979 = arith.constant 0 : i32
        %dma_wait3A_980 = tpu.memref_slice %arg6[%add3A, %dma_wait3A_979] : memref<8x768xf32, #tpu.memory_space<hbm>> -> memref<1x768xf32, #tpu.memory_space<hbm>>
        %dma_wait3A_981 = tpu.memref_squeeze %dma_wait3A_980 : memref<1x768xf32, #tpu.memory_space<hbm>> -> memref<768xf32, #tpu.memory_space<hbm>>
        %dma_wait3A_982 = arith.constant 0 : i32
        %dma_wait3A_983 = tpu.memref_slice %arg6[%add3A, %dma_wait3A_982] : memref<8x768xf32, #tpu.memory_space<hbm>> -> memref<1x768xf32, #tpu.memory_space<hbm>>
        %dma_wait3A_984 = tpu.memref_squeeze %dma_wait3A_983 : memref<1x768xf32, #tpu.memory_space<hbm>> -> memref<768xf32, #tpu.memory_space<hbm>>
        tpu.wait_dma2 semaphore(%run_scoped3A : memref<!tpu.dma_semaphore, #tpu.memory_space<semaphore_mem>>) src(%arg11 : memref<768xf32, #tpu.memory_space<vmem>>) dst(%dma_wait3A_984 : memref<768xf32, #tpu.memory_space<hbm>>)
        tpu.yield
      }) : () -> ()
    } else {
    }
    return
  }
}

module attributes {stable_mosaic.version = 14 : i64} {
  func.func @_stats_body(%arg0: i32, %arg1: i32, %arg2: memref<1x2x32x1x8x512xf32, #tpu.memory_space<vmem>>, %arg3: memref<2x1024x768xf32, #tpu.memory_space<vmem>>, %arg4: memref<768x512xf32, #tpu.memory_space<vmem>>, %arg5: memref<8x1x768xf32, #tpu.memory_space<vmem>>, %arg6: memref<8x1x128xf32, #tpu.memory_space<vmem>>, %arg7: memref<32x128xf32, #tpu.memory_space<vmem>>, %arg8: memref<3072x128xf32, #tpu.memory_space<vmem>>, %arg9: memref<8x128xf32, #tpu.memory_space<vmem>>) attributes {dimension_semantics = [#tpu.dimension_semantics<arbitrary>, #tpu.dimension_semantics<arbitrary>], iteration_bounds = array<i64: 8, 2>, scalar_prefetch = 0 : i64, scratch_operands = 0 : i64, tpu.core_type = #tpu.core_type<tc>, window_params = [{transform_indices = @transform_0, window_bounds = array<i64: 1, 2, 32, 1, 8, 512>}, {transform_indices = @transform_1, window_bounds = array<i64: 2, 1024, 768>}, {pipeline_mode = #tpu.pipeline_mode<synchronous>, transform_indices = @transform_2, window_bounds = array<i64: 768, 512>}, {pipeline_mode = #tpu.pipeline_mode<synchronous>, transform_indices = @transform_3, window_bounds = array<i64: 8, 1, 768>}, {pipeline_mode = #tpu.pipeline_mode<synchronous>, transform_indices = @transform_4, window_bounds = array<i64: 8, 1, 128>}, {pipeline_mode = #tpu.pipeline_mode<synchronous>, transform_indices = @transform_5, window_bounds = array<i64: 32, 128>}, {pipeline_mode = #tpu.pipeline_mode<synchronous>, transform_indices = @transform_6, window_bounds = array<i64: 3072, 128>}, {pipeline_mode = #tpu.pipeline_mode<synchronous>, transform_indices = @transform_7, window_bounds = array<i64: 8, 128>}]} {
    %iota3A = tpu.iota {dimensions = array<i32: 0>} : vector<512x32xi32>
    %iota3A_0 = tpu.iota {dimensions = array<i32: 1>} : vector<512x32xi32>
    %mul3A = arith.constant 16 : i32
    %mul3A_1 = vector.broadcast %mul3A : i32 to vector<512x32xi32>
    %mul3A_2 = arith.muli %mul3A_1, %iota3A_0 : vector<512x32xi32>
    %eq3A = arith.cmpi eq, %iota3A, %mul3A_2 : vector<512x32xi32>
    %convert_element_type3A = arith.extui %eq3A : vector<512x32xi1> to vector<512x32xi32>
    %convert_element_type3A_3 = arith.sitofp %convert_element_type3A : vector<512x32xi32> to vector<512x32xf32>
    %iota3A_4 = tpu.iota {dimensions = array<i32: 0>} : vector<1024x32xi32>
    %iota3A_5 = tpu.iota {dimensions = array<i32: 1>} : vector<1024x32xi32>
    %jit3A = arith.constant 32 : i32
    %div3A = vector.broadcast %jit3A : i32 to vector<1024x32xi32>
    %div3A_6 = arith.divsi %iota3A_4, %div3A : vector<1024x32xi32>
    %sign3A = arith.constant 0 : i32
    %sign3A_7 = vector.broadcast %sign3A : i32 to vector<1024x32xi32>
    %sign3A_8 = arith.cmpi sgt, %iota3A_4, %sign3A_7 : vector<1024x32xi32>
    %sign3A_9 = arith.extui %sign3A_8 : vector<1024x32xi1> to vector<1024x32xi32>
    %sign3A_10 = arith.constant 0 : i32
    %sign3A_11 = vector.broadcast %sign3A_10 : i32 to vector<1024x32xi32>
    %sign3A_12 = arith.cmpi slt, %iota3A_4, %sign3A_11 : vector<1024x32xi32>
    %sign3A_13 = arith.extui %sign3A_12 : vector<1024x32xi1> to vector<1024x32xi32>
    %sign3A_14 = arith.subi %sign3A_9, %sign3A_13 : vector<1024x32xi32>
    %sign3A_15 = arith.constant 0 : i32
    %sign3A_16 = arith.cmpi sgt, %jit3A, %sign3A_15 : i32
    %sign3A_17 = arith.extui %sign3A_16 : i1 to i32
    %sign3A_18 = arith.constant 0 : i32
    %sign3A_19 = arith.cmpi slt, %jit3A, %sign3A_18 : i32
    %sign3A_20 = arith.extui %sign3A_19 : i1 to i32
    %sign3A_21 = arith.subi %sign3A_17, %sign3A_20 : i32
    %ne3A = vector.broadcast %sign3A_21 : i32 to vector<1024x32xi32>
    %ne3A_22 = arith.cmpi ne, %sign3A_14, %ne3A : vector<1024x32xi32>
    %rem3A = vector.broadcast %jit3A : i32 to vector<1024x32xi32>
    %rem3A_23 = arith.remsi %iota3A_4, %rem3A : vector<1024x32xi32>
    %ne3A_24 = arith.constant 0 : i32
    %ne3A_25 = vector.broadcast %ne3A_24 : i32 to vector<1024x32xi32>
    %ne3A_26 = arith.cmpi ne, %rem3A_23, %ne3A_25 : vector<1024x32xi32>
    %and3A = arith.andi %ne3A_22, %ne3A_26 : vector<1024x32xi1>
    %sub3A = arith.constant 1 : i32
    %sub3A_27 = vector.broadcast %sub3A : i32 to vector<1024x32xi32>
    %sub3A_28 = arith.subi %div3A_6, %sub3A_27 : vector<1024x32xi32>
    %select_n3A = arith.select %and3A, %sub3A_28, %div3A_6 : vector<1024x32xi1>, vector<1024x32xi32>
    %eq3A_29 = arith.cmpi eq, %select_n3A, %iota3A_5 : vector<1024x32xi32>
    %convert_element_type3A_30 = arith.extui %eq3A_29 : vector<1024x32xi1> to vector<1024x32xi32>
    %convert_element_type3A_31 = arith.sitofp %convert_element_type3A_30 : vector<1024x32xi32> to vector<1024x32xf32>
    %iota3A_32 = tpu.iota {dimensions = array<i32: 0>} : vector<1024x32xi32>
    %iota3A_33 = tpu.iota {dimensions = array<i32: 1>} : vector<1024x32xi32>
    %jit3A_34 = arith.constant 32 : i32
    %eq3A_35 = arith.constant 0 : i32
    %eq3A_36 = arith.cmpi eq, %jit3A_34, %eq3A_35 : i32
    %jit3A_37 = arith.constant 1 : i32
    %select_n3A_38 = arith.select %eq3A_36, %jit3A_37, %jit3A_34 : i32
    %rem3A_39 = vector.broadcast %select_n3A_38 : i32 to vector<1024x32xi32>
    %rem3A_40 = arith.remsi %iota3A_32, %rem3A_39 : vector<1024x32xi32>
    %ne3A_41 = arith.constant 0 : i32
    %ne3A_42 = vector.broadcast %ne3A_41 : i32 to vector<1024x32xi32>
    %ne3A_43 = arith.cmpi ne, %rem3A_40, %ne3A_42 : vector<1024x32xi32>
    %lt3A = arith.constant 0 : i32
    %lt3A_44 = vector.broadcast %lt3A : i32 to vector<1024x32xi32>
    %lt3A_45 = arith.cmpi slt, %rem3A_40, %lt3A_44 : vector<1024x32xi32>
    %lt3A_46 = arith.constant 0 : i32
    %lt3A_47 = arith.cmpi slt, %select_n3A_38, %lt3A_46 : i32
    %ne3A_48 = vector.broadcast %lt3A_47 : i1 to vector<1024x32xi1>
    %ne3A_49 = vector.broadcast %ne3A_48 : vector<1024x32xi1> to vector<1024x32xi1>
    %ne3A_50 = arith.xori %lt3A_45, %ne3A_49 : vector<1024x32xi1>
    %and3A_51 = arith.andi %ne3A_50, %ne3A_43 : vector<1024x32xi1>
    %add3A = vector.broadcast %select_n3A_38 : i32 to vector<1024x32xi32>
    %add3A_52 = arith.addi %rem3A_40, %add3A : vector<1024x32xi32>
    %select_n3A_53 = arith.select %and3A_51, %add3A_52, %rem3A_40 : vector<1024x32xi1>, vector<1024x32xi32>
    %eq3A_54 = arith.cmpi eq, %select_n3A_53, %iota3A_33 : vector<1024x32xi32>
    %convert_element_type3A_55 = arith.extui %eq3A_54 : vector<1024x32xi1> to vector<1024x32xi32>
    %convert_element_type3A_56 = arith.sitofp %convert_element_type3A_55 : vector<1024x32xi32> to vector<1024x32xf32>
    %broadcast_in_dim3A = arith.constant 0.000000e+00 : f32
    %broadcast_in_dim3A_57 = vector.broadcast %broadcast_in_dim3A : f32 to vector<1x768xf32>
    %broadcast_in_dim3A_58 = arith.constant 0.000000e+00 : f32
    %broadcast_in_dim3A_59 = vector.broadcast %broadcast_in_dim3A_58 : f32 to vector<1x128xf32>
    %get3A = arith.constant 0 : index
    %get3A_60 = arith.constant 0 : index
    %get3A_61 = arith.constant 0 : index
    %get3A_62 = arith.constant 0 : index
    %get3A_63 = arith.constant 0 : index
    %get3A_64 = arith.constant 0 : index
    %get3A_65 = vector.load %arg2[%get3A, %get3A_60, %get3A_61, %get3A_62, %get3A_63, %get3A_64] : memref<1x2x32x1x8x512xf32, #tpu.memory_space<vmem>>, vector<1x2x32x1x8x512xf32>
    %slice3A = vector.extract_strided_slice %get3A_65 {offsets = [0, 0, 0, 0, 0, 0], sizes = [1, 1, 32, 1, 1, 512], strides = [1, 1, 1, 1, 1, 1]} : vector<1x2x32x1x8x512xf32> to vector<1x1x32x1x1x512xf32>
    %squeeze3A = vector.shape_cast %slice3A : vector<1x1x32x1x1x512xf32> to vector<32x512xf32>
    %dot_general3A = arith.constant dense<0.000000e+00> : vector<32x32xf32>
    %dot_general3A_66 = tpu.matmul %squeeze3A, %convert_element_type3A_3, %dot_general3A {dimension_numbers = #tpu.dot_dimension_numbers<[1], [0], [0], [1], [0, 0, 1, 1], [], []>, transpose_lhs_hint = false} : vector<32x512xf32>, vector<512x32xf32>, vector<32x32xf32> -> vector<32x32xf32>
    %eq3A_67 = arith.constant 1.000000e+00 : f32
    %eq3A_68 = vector.broadcast %eq3A_67 : f32 to vector<32x32xf32>
    %eq3A_69 = arith.cmpf oeq, %dot_general3A_66, %eq3A_68 : vector<32x32xf32>
    %jit3A_70 = arith.constant 1.000000e+00 : f32
    %jit3A_71 = arith.constant 0.000000e+00 : f32
    %broadcast_in_dim3A_72 = vector.broadcast %jit3A_70 : f32 to vector<32x32xf32>
    %broadcast_in_dim3A_73 = vector.broadcast %jit3A_71 : f32 to vector<32x32xf32>
    %select_n3A_74 = arith.select %eq3A_69, %broadcast_in_dim3A_72, %broadcast_in_dim3A_73 : vector<32x32xi1>, vector<32x32xf32>
    %dot_general3A_75 = arith.constant dense<0.000000e+00> : vector<1024x32xf32>
    %dot_general3A_76 = tpu.matmul %convert_element_type3A_31, %select_n3A_74, %dot_general3A_75 {dimension_numbers = #tpu.dot_dimension_numbers<[1], [0], [0], [1], [0, 0, 1, 1], [], []>, transpose_lhs_hint = false} : vector<1024x32xf32>, vector<32x32xf32>, vector<1024x32xf32> -> vector<1024x32xf32>
    %mul3A_77 = arith.mulf %dot_general3A_76, %convert_element_type3A_56 : vector<1024x32xf32>
    %reduce_sum3A = arith.constant dense<0.000000e+00> : vector<1024xf32>
    %reduce_sum3A_78 = vector.multi_reduction <add>, %mul3A_77, %reduce_sum3A [1] : vector<1024x32xf32> to vector<1024xf32>
    %broadcast_in_dim3A_79 = vector.shape_cast %reduce_sum3A_78 : vector<1024xf32> to vector<1024x1xf32>
    %get3A_80 = arith.constant 0 : index
    %get3A_81 = arith.constant 0 : index
    %get3A_82 = arith.constant 0 : index
    %get3A_83 = vector.load %arg3[%get3A_80, %get3A_81, %get3A_82] : memref<2x1024x768xf32, #tpu.memory_space<vmem>>, vector<1x1024x768xf32>
    %squeeze3A_84 = vector.shape_cast %get3A_83 : vector<1x1024x768xf32> to vector<1024x768xf32>
    %mul3A_85 = vector.broadcast %broadcast_in_dim3A_79 : vector<1024x1xf32> to vector<1024x768xf32>
    %mul3A_86 = arith.mulf %squeeze3A_84, %mul3A_85 : vector<1024x768xf32>
    %reduce_sum3A_87 = arith.constant dense<0.000000e+00> : vector<768xf32>
    %reduce_sum3A_88 = vector.multi_reduction <add>, %mul3A_86, %reduce_sum3A_87 [0] : vector<1024x768xf32> to vector<768xf32>
    %broadcast_in_dim3A_89 = vector.shape_cast %reduce_sum3A_88 : vector<768xf32> to vector<1x768xf32>
    %add3A_90 = arith.addf %broadcast_in_dim3A_57, %broadcast_in_dim3A_89 : vector<1x768xf32>
    %reduce_sum3A_91 = vector.shape_cast %select_n3A_74 : vector<32x32xf32> to vector<1x32x32xf32>
    %reduce_sum3A_92 = arith.constant dense<0.000000e+00> : vector<1xf32>
    %reduce_sum3A_93 = vector.multi_reduction <add>, %reduce_sum3A_91, %reduce_sum3A_92 [1, 2] : vector<1x32x32xf32> to vector<1xf32>
    %reduce_sum3A_94 = vector.shape_cast %reduce_sum3A_93 : vector<1xf32> to vector<1x1x1xf32>
    %reduce_sum3A_95 = vector.extract %reduce_sum3A_94[0, 0, 0] : f32 from vector<1x1x1xf32>
    %broadcast_in_dim3A_96 = vector.broadcast %reduce_sum3A_95 : f32 to vector<1x128xf32>
    %add3A_97 = arith.addf %broadcast_in_dim3A_59, %broadcast_in_dim3A_96 : vector<1x128xf32>
    %get3A_98 = arith.constant 0 : index
    %get3A_99 = arith.constant 0 : index
    %get3A_100 = arith.constant 0 : index
    %get3A_101 = arith.constant 0 : index
    %get3A_102 = arith.constant 0 : index
    %get3A_103 = arith.constant 0 : index
    %get3A_104 = vector.load %arg2[%get3A_98, %get3A_99, %get3A_100, %get3A_101, %get3A_102, %get3A_103] : memref<1x2x32x1x8x512xf32, #tpu.memory_space<vmem>>, vector<1x2x32x1x8x512xf32>
    %slice3A_105 = vector.extract_strided_slice %get3A_104 {offsets = [0, 1, 0, 0, 0, 0], sizes = [1, 1, 32, 1, 1, 512], strides = [1, 1, 1, 1, 1, 1]} : vector<1x2x32x1x8x512xf32> to vector<1x1x32x1x1x512xf32>
    %squeeze3A_106 = vector.shape_cast %slice3A_105 : vector<1x1x32x1x1x512xf32> to vector<32x512xf32>
    %dot_general3A_107 = arith.constant dense<0.000000e+00> : vector<32x32xf32>
    %dot_general3A_108 = tpu.matmul %squeeze3A_106, %convert_element_type3A_3, %dot_general3A_107 {dimension_numbers = #tpu.dot_dimension_numbers<[1], [0], [0], [1], [0, 0, 1, 1], [], []>, transpose_lhs_hint = false} : vector<32x512xf32>, vector<512x32xf32>, vector<32x32xf32> -> vector<32x32xf32>
    %eq3A_109 = arith.constant 1.000000e+00 : f32
    %eq3A_110 = vector.broadcast %eq3A_109 : f32 to vector<32x32xf32>
    %eq3A_111 = arith.cmpf oeq, %dot_general3A_108, %eq3A_110 : vector<32x32xf32>
    %jit3A_112 = arith.constant 1.000000e+00 : f32
    %jit3A_113 = arith.constant 0.000000e+00 : f32
    %broadcast_in_dim3A_114 = vector.broadcast %jit3A_112 : f32 to vector<32x32xf32>
    %broadcast_in_dim3A_115 = vector.broadcast %jit3A_113 : f32 to vector<32x32xf32>
    %select_n3A_116 = arith.select %eq3A_111, %broadcast_in_dim3A_114, %broadcast_in_dim3A_115 : vector<32x32xi1>, vector<32x32xf32>
    %dot_general3A_117 = arith.constant dense<0.000000e+00> : vector<1024x32xf32>
    %dot_general3A_118 = tpu.matmul %convert_element_type3A_31, %select_n3A_116, %dot_general3A_117 {dimension_numbers = #tpu.dot_dimension_numbers<[1], [0], [0], [1], [0, 0, 1, 1], [], []>, transpose_lhs_hint = false} : vector<1024x32xf32>, vector<32x32xf32>, vector<1024x32xf32> -> vector<1024x32xf32>
    %mul3A_119 = arith.mulf %dot_general3A_118, %convert_element_type3A_56 : vector<1024x32xf32>
    %reduce_sum3A_120 = arith.constant dense<0.000000e+00> : vector<1024xf32>
    %reduce_sum3A_121 = vector.multi_reduction <add>, %mul3A_119, %reduce_sum3A_120 [1] : vector<1024x32xf32> to vector<1024xf32>
    %broadcast_in_dim3A_122 = vector.shape_cast %reduce_sum3A_121 : vector<1024xf32> to vector<1024x1xf32>
    %get3A_123 = arith.constant 1 : index
    %get3A_124 = arith.constant 0 : index
    %get3A_125 = arith.constant 0 : index
    %get3A_126 = vector.load %arg3[%get3A_123, %get3A_124, %get3A_125] : memref<2x1024x768xf32, #tpu.memory_space<vmem>>, vector<1x1024x768xf32>
    %squeeze3A_127 = vector.shape_cast %get3A_126 : vector<1x1024x768xf32> to vector<1024x768xf32>
    %mul3A_128 = vector.broadcast %broadcast_in_dim3A_122 : vector<1024x1xf32> to vector<1024x768xf32>
    %mul3A_129 = arith.mulf %squeeze3A_127, %mul3A_128 : vector<1024x768xf32>
    %reduce_sum3A_130 = arith.constant dense<0.000000e+00> : vector<768xf32>
    %reduce_sum3A_131 = vector.multi_reduction <add>, %mul3A_129, %reduce_sum3A_130 [0] : vector<1024x768xf32> to vector<768xf32>
    %broadcast_in_dim3A_132 = vector.shape_cast %reduce_sum3A_131 : vector<768xf32> to vector<1x768xf32>
    %add3A_133 = arith.addf %add3A_90, %broadcast_in_dim3A_132 : vector<1x768xf32>
    %reduce_sum3A_134 = vector.shape_cast %select_n3A_116 : vector<32x32xf32> to vector<1x32x32xf32>
    %reduce_sum3A_135 = arith.constant dense<0.000000e+00> : vector<1xf32>
    %reduce_sum3A_136 = vector.multi_reduction <add>, %reduce_sum3A_134, %reduce_sum3A_135 [1, 2] : vector<1x32x32xf32> to vector<1xf32>
    %reduce_sum3A_137 = vector.shape_cast %reduce_sum3A_136 : vector<1xf32> to vector<1x1x1xf32>
    %reduce_sum3A_138 = vector.extract %reduce_sum3A_137[0, 0, 0] : f32 from vector<1x1x1xf32>
    %broadcast_in_dim3A_139 = vector.broadcast %reduce_sum3A_138 : f32 to vector<1x128xf32>
    %add3A_140 = arith.addf %add3A_97, %broadcast_in_dim3A_139 : vector<1x128xf32>
    %eq3A_141 = arith.constant 0 : i32
    %eq3A_142 = arith.cmpi eq, %arg1, %eq3A_141 : i32
    %convert_element_type3A_143 = arith.extui %eq3A_142 : i1 to i32
    %cond3A = arith.constant 0 : i32
    %cond3A_144 = arith.cmpi ne, %convert_element_type3A_143, %cond3A : i32
    scf.if %cond3A_144 {
      %swap3A = arith.index_cast %arg0 : i32 to index
      %swap3A_158 = arith.constant 0 : index
      %swap3A_159 = arith.constant 0 : index
      %swap3A_160 = vector.load %arg5[%swap3A, %swap3A_158, %swap3A_159] : memref<8x1x768xf32, #tpu.memory_space<vmem>>, vector<1x1x768xf32>
      %swap3A_161 = vector.shape_cast %swap3A_160 : vector<1x1x768xf32> to vector<1x768xf32>
      %swap3A_162 = vector.shape_cast %add3A_133 : vector<1x768xf32> to vector<1x1x768xf32>
      tpu.vector_store %arg5[%swap3A, %swap3A_158, %swap3A_159], %swap3A_162 {strides = array<i32>} : memref<8x1x768xf32, #tpu.memory_space<vmem>>, vector<1x1x768xf32>,
      %swap3A_163 = arith.index_cast %arg0 : i32 to index
      %swap3A_164 = arith.constant 0 : index
      %swap3A_165 = arith.constant 0 : index
      %swap3A_166 = vector.load %arg6[%swap3A_163, %swap3A_164, %swap3A_165] : memref<8x1x128xf32, #tpu.memory_space<vmem>>, vector<1x1x128xf32>
      %swap3A_167 = vector.shape_cast %swap3A_166 : vector<1x1x128xf32> to vector<1x128xf32>
      %swap3A_168 = vector.shape_cast %add3A_140 : vector<1x128xf32> to vector<1x1x128xf32>
      tpu.vector_store %arg6[%swap3A_163, %swap3A_164, %swap3A_165], %swap3A_168 {strides = array<i32>} : memref<8x1x128xf32, #tpu.memory_space<vmem>>, vector<1x1x128xf32>,
    } else {
    }
    %ne3A_145 = arith.constant 0 : i32
    %ne3A_146 = arith.cmpi ne, %arg1, %ne3A_145 : i32
    %convert_element_type3A_147 = arith.extui %ne3A_146 : i1 to i32
    %cond3A_148 = arith.constant 0 : i32
    %cond3A_149 = arith.cmpi ne, %convert_element_type3A_147, %cond3A_148 : i32
    scf.if %cond3A_149 {
      %get3A_158 = arith.index_cast %arg0 : i32 to index
      %get3A_159 = arith.constant 0 : index
      %get3A_160 = arith.constant 0 : index
      %get3A_161 = vector.load %arg5[%get3A_158, %get3A_159, %get3A_160] : memref<8x1x768xf32, #tpu.memory_space<vmem>>, vector<1x1x768xf32>
      %get3A_162 = vector.shape_cast %get3A_161 : vector<1x1x768xf32> to vector<1x768xf32>
      %add3A_163 = arith.addf %get3A_162, %add3A_133 : vector<1x768xf32>
      %swap3A = arith.index_cast %arg0 : i32 to index
      %swap3A_164 = arith.constant 0 : index
      %swap3A_165 = arith.constant 0 : index
      %swap3A_166 = vector.load %arg5[%swap3A, %swap3A_164, %swap3A_165] : memref<8x1x768xf32, #tpu.memory_space<vmem>>, vector<1x1x768xf32>
      %swap3A_167 = vector.shape_cast %swap3A_166 : vector<1x1x768xf32> to vector<1x768xf32>
      %swap3A_168 = vector.shape_cast %add3A_163 : vector<1x768xf32> to vector<1x1x768xf32>
      tpu.vector_store %arg5[%swap3A, %swap3A_164, %swap3A_165], %swap3A_168 {strides = array<i32>} : memref<8x1x768xf32, #tpu.memory_space<vmem>>, vector<1x1x768xf32>,
      %get3A_169 = arith.index_cast %arg0 : i32 to index
      %get3A_170 = arith.constant 0 : index
      %get3A_171 = arith.constant 0 : index
      %get3A_172 = vector.load %arg6[%get3A_169, %get3A_170, %get3A_171] : memref<8x1x128xf32, #tpu.memory_space<vmem>>, vector<1x1x128xf32>
      %get3A_173 = vector.shape_cast %get3A_172 : vector<1x1x128xf32> to vector<1x128xf32>
      %add3A_174 = arith.addf %get3A_173, %add3A_140 : vector<1x128xf32>
      %swap3A_175 = arith.index_cast %arg0 : i32 to index
      %swap3A_176 = arith.constant 0 : index
      %swap3A_177 = arith.constant 0 : index
      %swap3A_178 = vector.load %arg6[%swap3A_175, %swap3A_176, %swap3A_177] : memref<8x1x128xf32, #tpu.memory_space<vmem>>, vector<1x1x128xf32>
      %swap3A_179 = vector.shape_cast %swap3A_178 : vector<1x1x128xf32> to vector<1x128xf32>
      %swap3A_180 = vector.shape_cast %add3A_174 : vector<1x128xf32> to vector<1x1x128xf32>
      tpu.vector_store %arg6[%swap3A_175, %swap3A_176, %swap3A_177], %swap3A_180 {strides = array<i32>} : memref<8x1x128xf32, #tpu.memory_space<vmem>>, vector<1x1x128xf32>,
    } else {
    }
    %eq3A_150 = arith.constant 7 : i32
    %eq3A_151 = arith.cmpi eq, %arg0, %eq3A_150 : i32
    %eq3A_152 = arith.constant 1 : i32
    %eq3A_153 = arith.cmpi eq, %arg1, %eq3A_152 : i32
    %and3A_154 = arith.andi %eq3A_151, %eq3A_153 : i1
    %convert_element_type3A_155 = arith.extui %and3A_154 : i1 to i32
    %cond3A_156 = arith.constant 0 : i32
    %cond3A_157 = arith.cmpi ne, %convert_element_type3A_155, %cond3A_156 : i32
    scf.if %cond3A_157 {
      %get3A_158 = arith.constant 0 : index
      %get3A_159 = arith.constant 0 : index
      %get3A_160 = arith.constant 0 : index
      %get3A_161 = vector.load %arg5[%get3A_158, %get3A_159, %get3A_160] : memref<8x1x768xf32, #tpu.memory_space<vmem>>, vector<8x1x768xf32>
      %squeeze3A_162 = vector.shape_cast %get3A_161 : vector<8x1x768xf32> to vector<8x768xf32>
      %get3A_163 = arith.constant 0 : index
      %get3A_164 = arith.constant 0 : index
      %get3A_165 = arith.constant 0 : index
      %get3A_166 = vector.load %arg6[%get3A_163, %get3A_164, %get3A_165] : memref<8x1x128xf32, #tpu.memory_space<vmem>>, vector<8x1x128xf32>
      %squeeze3A_167 = vector.shape_cast %get3A_166 : vector<8x1x128xf32> to vector<8x128xf32>
      %get3A_168 = arith.constant 0 : index
      %get3A_169 = arith.constant 0 : index
      %get3A_170 = vector.load %arg4[%get3A_168, %get3A_169] : memref<768x512xf32, #tpu.memory_space<vmem>>, vector<768x512xf32>
      %slice3A_171 = vector.extract_strided_slice %squeeze3A_167 {offsets = [0, 0], sizes = [8, 1], strides = [1, 1]} : vector<8x128xf32> to vector<8x1xf32>
      %add3A_172 = arith.constant 9.99999974E-5 : f32
      %add3A_173 = vector.broadcast %add3A_172 : f32 to vector<8x1xf32>
      %add3A_174 = arith.addf %slice3A_171, %add3A_173 : vector<8x1xf32>
      %div3A_175 = vector.broadcast %add3A_174 : vector<8x1xf32> to vector<8x768xf32>
      %div3A_176 = arith.divf %squeeze3A_162, %div3A_175 : vector<8x768xf32>
      %mul3A_177 = arith.mulf %get3A_170, %get3A_170 : vector<768x512xf32>
      %reduce_sum3A_178 = arith.constant dense<0.000000e+00> : vector<512xf32>
      %reduce_sum3A_179 = vector.multi_reduction <add>, %mul3A_177, %reduce_sum3A_178 [0] : vector<768x512xf32> to vector<512xf32>
      %broadcast_in_dim3A_180 = vector.shape_cast %reduce_sum3A_179 : vector<512xf32> to vector<1x512xf32>
      %sqrt3A = math.sqrt %broadcast_in_dim3A_180 : vector<1x512xf32>
      %max3A = arith.constant 9.99999996E-13 : f32
      %max3A_181 = vector.broadcast %max3A : f32 to vector<1x512xf32>
      %max3A_182 = arith.maximumf %sqrt3A, %max3A_181 : vector<1x512xf32>
      %div3A_183 = vector.broadcast %max3A_182 : vector<1x512xf32> to vector<768x512xf32>
      %div3A_184 = arith.divf %get3A_170, %div3A_183 : vector<768x512xf32>
      %mul3A_185 = arith.mulf %div3A_176, %div3A_176 : vector<8x768xf32>
      %reduce_sum3A_186 = arith.constant dense<0.000000e+00> : vector<8xf32>
      %reduce_sum3A_187 = vector.multi_reduction <add>, %mul3A_185, %reduce_sum3A_186 [1] : vector<8x768xf32> to vector<8xf32>
      %broadcast_in_dim3A_188 = vector.shape_cast %reduce_sum3A_187 : vector<8xf32> to vector<8x1xf32>
      %sqrt3A_189 = math.sqrt %broadcast_in_dim3A_188 : vector<8x1xf32>
      %max3A_190 = arith.constant 9.99999996E-13 : f32
      %max3A_191 = vector.broadcast %max3A_190 : f32 to vector<8x1xf32>
      %max3A_192 = arith.maximumf %sqrt3A_189, %max3A_191 : vector<8x1xf32>
      %div3A_193 = vector.broadcast %max3A_192 : vector<8x1xf32> to vector<8x768xf32>
      %div3A_194 = arith.divf %div3A_176, %div3A_193 : vector<8x768xf32>
      %dot_general3A_195 = arith.constant dense<0.000000e+00> : vector<8x512xf32>
      %dot_general3A_196 = tpu.matmul %div3A_194, %div3A_184, %dot_general3A_195 {dimension_numbers = #tpu.dot_dimension_numbers<[1], [0], [0], [1], [0, 0, 1, 1], [], []>, precision = #tpu.contract_precision<fp32>, transpose_lhs_hint = false} : vector<8x768xf32>, vector<768x512xf32>, vector<8x512xf32> -> vector<8x512xf32>
      %mul3A_197 = arith.mulf %div3A_184, %div3A_184 : vector<768x512xf32>
      %reduce_sum3A_198 = arith.constant dense<0.000000e+00> : vector<512xf32>
      %reduce_sum3A_199 = vector.multi_reduction <add>, %mul3A_197, %reduce_sum3A_198 [0] : vector<768x512xf32> to vector<512xf32>
      %broadcast_in_dim3A_200 = vector.shape_cast %reduce_sum3A_199 : vector<512xf32> to vector<1x512xf32>
      %sqrt3A_201 = math.sqrt %broadcast_in_dim3A_200 : vector<1x512xf32>
      %max3A_202 = arith.constant 9.99999996E-13 : f32
      %max3A_203 = vector.broadcast %max3A_202 : f32 to vector<1x512xf32>
      %max3A_204 = arith.maximumf %sqrt3A_201, %max3A_203 : vector<1x512xf32>
      %div3A_205 = vector.broadcast %max3A_204 : vector<1x512xf32> to vector<768x512xf32>
      %div3A_206 = arith.divf %div3A_184, %div3A_205 : vector<768x512xf32>
      %transpose3A = tpu.transpose %div3A_206, [1, 0] : vector<768x512xf32> -> vector<512x768xf32>
      %slice3A_207 = vector.extract_strided_slice %dot_general3A_196 {offsets = [0, 0], sizes = [8, 128], strides = [1, 1]} : vector<8x512xf32> to vector<8x128xf32>
      %swap3A = arith.constant 0 : index
      %swap3A_208 = arith.constant 0 : index
      %swap3A_209 = vector.load %arg7[%swap3A, %swap3A_208] : memref<32x128xf32, #tpu.memory_space<vmem>>, vector<8x128xf32>
      tpu.vector_store %arg7[%swap3A, %swap3A_208], %slice3A_207 {strides = array<i32>} : memref<32x128xf32, #tpu.memory_space<vmem>>, vector<8x128xf32>,
      %slice3A_210 = vector.extract_strided_slice %dot_general3A_196 {offsets = [0, 128], sizes = [8, 128], strides = [1, 1]} : vector<8x512xf32> to vector<8x128xf32>
      %swap3A_211 = arith.constant 8 : index
      %swap3A_212 = arith.constant 0 : index
      %swap3A_213 = vector.load %arg7[%swap3A_211, %swap3A_212] : memref<32x128xf32, #tpu.memory_space<vmem>>, vector<8x128xf32>
      tpu.vector_store %arg7[%swap3A_211, %swap3A_212], %slice3A_210 {strides = array<i32>} : memref<32x128xf32, #tpu.memory_space<vmem>>, vector<8x128xf32>,
      %slice3A_214 = vector.extract_strided_slice %dot_general3A_196 {offsets = [0, 256], sizes = [8, 128], strides = [1, 1]} : vector<8x512xf32> to vector<8x128xf32>
      %swap3A_215 = arith.constant 16 : index
      %swap3A_216 = arith.constant 0 : index
      %swap3A_217 = vector.load %arg7[%swap3A_215, %swap3A_216] : memref<32x128xf32, #tpu.memory_space<vmem>>, vector<8x128xf32>
      tpu.vector_store %arg7[%swap3A_215, %swap3A_216], %slice3A_214 {strides = array<i32>} : memref<32x128xf32, #tpu.memory_space<vmem>>, vector<8x128xf32>,
      %slice3A_218 = vector.extract_strided_slice %dot_general3A_196 {offsets = [0, 384], sizes = [8, 128], strides = [1, 1]} : vector<8x512xf32> to vector<8x128xf32>
      %swap3A_219 = arith.constant 24 : index
      %swap3A_220 = arith.constant 0 : index
      %swap3A_221 = vector.load %arg7[%swap3A_219, %swap3A_220] : memref<32x128xf32, #tpu.memory_space<vmem>>, vector<8x128xf32>
      tpu.vector_store %arg7[%swap3A_219, %swap3A_220], %slice3A_218 {strides = array<i32>} : memref<32x128xf32, #tpu.memory_space<vmem>>, vector<8x128xf32>,
      %slice3A_222 = vector.extract_strided_slice %transpose3A {offsets = [0, 0], sizes = [512, 128], strides = [1, 1]} : vector<512x768xf32> to vector<512x128xf32>
      %swap3A_223 = arith.constant 0 : index
      %swap3A_224 = arith.constant 0 : index
      %swap3A_225 = vector.load %arg8[%swap3A_223, %swap3A_224] : memref<3072x128xf32, #tpu.memory_space<vmem>>, vector<512x128xf32>
      tpu.vector_store %arg8[%swap3A_223, %swap3A_224], %slice3A_222 {strides = array<i32>} : memref<3072x128xf32, #tpu.memory_space<vmem>>, vector<512x128xf32>,
      %slice3A_226 = vector.extract_strided_slice %transpose3A {offsets = [0, 128], sizes = [512, 128], strides = [1, 1]} : vector<512x768xf32> to vector<512x128xf32>
      %swap3A_227 = arith.constant 512 : index
      %swap3A_228 = arith.constant 0 : index
      %swap3A_229 = vector.load %arg8[%swap3A_227, %swap3A_228] : memref<3072x128xf32, #tpu.memory_space<vmem>>, vector<512x128xf32>
      tpu.vector_store %arg8[%swap3A_227, %swap3A_228], %slice3A_226 {strides = array<i32>} : memref<3072x128xf32, #tpu.memory_space<vmem>>, vector<512x128xf32>,
      %slice3A_230 = vector.extract_strided_slice %transpose3A {offsets = [0, 256], sizes = [512, 128], strides = [1, 1]} : vector<512x768xf32> to vector<512x128xf32>
      %swap3A_231 = arith.constant 1024 : index
      %swap3A_232 = arith.constant 0 : index
      %swap3A_233 = vector.load %arg8[%swap3A_231, %swap3A_232] : memref<3072x128xf32, #tpu.memory_space<vmem>>, vector<512x128xf32>
      tpu.vector_store %arg8[%swap3A_231, %swap3A_232], %slice3A_230 {strides = array<i32>} : memref<3072x128xf32, #tpu.memory_space<vmem>>, vector<512x128xf32>,
      %slice3A_234 = vector.extract_strided_slice %transpose3A {offsets = [0, 384], sizes = [512, 128], strides = [1, 1]} : vector<512x768xf32> to vector<512x128xf32>
      %swap3A_235 = arith.constant 1536 : index
      %swap3A_236 = arith.constant 0 : index
      %swap3A_237 = vector.load %arg8[%swap3A_235, %swap3A_236] : memref<3072x128xf32, #tpu.memory_space<vmem>>, vector<512x128xf32>
      tpu.vector_store %arg8[%swap3A_235, %swap3A_236], %slice3A_234 {strides = array<i32>} : memref<3072x128xf32, #tpu.memory_space<vmem>>, vector<512x128xf32>,
      %slice3A_238 = vector.extract_strided_slice %transpose3A {offsets = [0, 512], sizes = [512, 128], strides = [1, 1]} : vector<512x768xf32> to vector<512x128xf32>
      %swap3A_239 = arith.constant 2048 : index
      %swap3A_240 = arith.constant 0 : index
      %swap3A_241 = vector.load %arg8[%swap3A_239, %swap3A_240] : memref<3072x128xf32, #tpu.memory_space<vmem>>, vector<512x128xf32>
      tpu.vector_store %arg8[%swap3A_239, %swap3A_240], %slice3A_238 {strides = array<i32>} : memref<3072x128xf32, #tpu.memory_space<vmem>>, vector<512x128xf32>,
      %slice3A_242 = vector.extract_strided_slice %transpose3A {offsets = [0, 640], sizes = [512, 128], strides = [1, 1]} : vector<512x768xf32> to vector<512x128xf32>
      %swap3A_243 = arith.constant 2560 : index
      %swap3A_244 = arith.constant 0 : index
      %swap3A_245 = vector.load %arg8[%swap3A_243, %swap3A_244] : memref<3072x128xf32, #tpu.memory_space<vmem>>, vector<512x128xf32>
      tpu.vector_store %arg8[%swap3A_243, %swap3A_244], %slice3A_242 {strides = array<i32>} : memref<3072x128xf32, #tpu.memory_space<vmem>>, vector<512x128xf32>,
      %gt3A = arith.constant 5.000000e-01 : f32
      %gt3A_246 = vector.broadcast %gt3A : f32 to vector<8x1xf32>
      %gt3A_247 = arith.cmpf ogt, %slice3A_171, %gt3A_246 : vector<8x1xf32>
      %convert_element_type3A_248 = arith.extui %gt3A_247 : vector<8x1xi1> to vector<8x1xi32>
      %convert_element_type3A_249 = arith.sitofp %convert_element_type3A_248 : vector<8x1xi32> to vector<8x1xf32>
      %mul3A_250 = arith.constant 27.7128124 : f32
      %mul3A_251 = vector.broadcast %mul3A_250 : f32 to vector<8x1xf32>
      %mul3A_252 = arith.mulf %convert_element_type3A_249, %mul3A_251 : vector<8x1xf32>
      %broadcast_in_dim3A_253 = vector.shape_cast %mul3A_252 : vector<8x1xf32> to vector<8x1xf32>
      %broadcast_in_dim3A_254 = vector.broadcast %broadcast_in_dim3A_253 : vector<8x1xf32> to vector<8x128xf32>
      %swap3A_255 = arith.constant 0 : index
      %swap3A_256 = arith.constant 0 : index
      %swap3A_257 = vector.load %arg9[%swap3A_255, %swap3A_256] : memref<8x128xf32, #tpu.memory_space<vmem>>, vector<8x128xf32>
      tpu.vector_store %arg9[%swap3A_255, %swap3A_256], %broadcast_in_dim3A_254 {strides = array<i32>} : memref<8x128xf32, #tpu.memory_space<vmem>>, vector<8x128xf32>,
    } else {
    }
    return
  }
  func.func @transform_0(%arg0: i32, %arg1: i32) -> (i32, i32, i32, i32, i32, i32) {
    %c0_i32 = arith.constant 0 : i32
    %c0_i32_0 = arith.constant 0 : i32
    %c0_i32_1 = arith.constant 0 : i32
    %c0_i32_2 = arith.constant 0 : i32
    %c0_i32_3 = arith.constant 0 : i32
    return %arg0, %arg1, %c0_i32, %c0_i32_0, %c0_i32_1, %c0_i32_2 : i32, i32, i32, i32, i32, i32
  }
  func.func @transform_1(%arg0: i32, %arg1: i32) -> (i32, i32, i32) {
    %mul3A = arith.constant 2 : i32
    %mul3A_0 = arith.muli %arg0, %mul3A : i32
    %add3A = arith.addi %mul3A_0, %arg1 : i32
    %c0_i32 = arith.constant 0 : i32
    %c0_i32_1 = arith.constant 0 : i32
    %c0_i32_2 = arith.constant 0 : i32
    return %add3A, %c0_i32, %c0_i32_1 : i32, i32, i32
  }
  func.func @transform_2(%arg0: i32, %arg1: i32) -> (i32, i32) {
    %c0_i32 = arith.constant 0 : i32
    %c0_i32_0 = arith.constant 0 : i32
    %c0_i32_1 = arith.constant 0 : i32
    return %c0_i32, %c0_i32_0 : i32, i32
  }
  func.func @transform_3(%arg0: i32, %arg1: i32) -> (i32, i32, i32) {
    %c0_i32 = arith.constant 0 : i32
    %c0_i32_0 = arith.constant 0 : i32
    %c0_i32_1 = arith.constant 0 : i32
    %c0_i32_2 = arith.constant 0 : i32
    return %c0_i32, %c0_i32_0, %c0_i32_1 : i32, i32, i32
  }
  func.func @transform_4(%arg0: i32, %arg1: i32) -> (i32, i32, i32) {
    %c0_i32 = arith.constant 0 : i32
    %c0_i32_0 = arith.constant 0 : i32
    %c0_i32_1 = arith.constant 0 : i32
    %c0_i32_2 = arith.constant 0 : i32
    return %c0_i32, %c0_i32_0, %c0_i32_1 : i32, i32, i32
  }
  func.func @transform_5(%arg0: i32, %arg1: i32) -> (i32, i32) {
    %c0_i32 = arith.constant 0 : i32
    %c0_i32_0 = arith.constant 0 : i32
    %c0_i32_1 = arith.constant 0 : i32
    return %c0_i32, %c0_i32_0 : i32, i32
  }
  func.func @transform_6(%arg0: i32, %arg1: i32) -> (i32, i32) {
    %c0_i32 = arith.constant 0 : i32
    %c0_i32_0 = arith.constant 0 : i32
    %c0_i32_1 = arith.constant 0 : i32
    return %c0_i32, %c0_i32_0 : i32, i32
  }
  func.func @transform_7(%arg0: i32, %arg1: i32) -> (i32, i32) {
    %c0_i32 = arith.constant 0 : i32
    %c0_i32_0 = arith.constant 0 : i32
    %c0_i32_1 = arith.constant 0 : i32
    return %c0_i32, %c0_i32_0 : i32, i32
  }
}

module attributes {stable_mosaic.version = 14 : i64} {
  func.func @_fused_body(%arg0: i32, %arg1: i32, %arg2: memref<1x1024x768xf32, #tpu.memory_space<vmem>>, %arg3: memref<1x1024x768xf32, #tpu.memory_space<vmem>>, %arg4: memref<1x1x768xf32, #tpu.memory_space<vmem>>, %arg5: memref<48x768xf32, #tpu.memory_space<vmem>>, %arg6: memref<1x48xf32, #tpu.memory_space<vmem>>, %arg7: memref<768x49xf32, #tpu.memory_space<vmem>>, %arg8: memref<1x1024x768xf32, #tpu.memory_space<vmem>>) attributes {dimension_semantics = [#tpu.dimension_semantics<arbitrary>, #tpu.dimension_semantics<arbitrary>], iteration_bounds = array<i64: 40, 1>, scalar_prefetch = 0 : i64, scratch_operands = 0 : i64, tpu.core_type = #tpu.core_type<tc>, window_params = [{transform_indices = @transform_0, window_bounds = array<i64: 1, 1024, 768>}, {transform_indices = @transform_1, window_bounds = array<i64: 1, 1024, 768>}, {transform_indices = @transform_2, window_bounds = array<i64: 1, 1, 768>}, {pipeline_mode = #tpu.pipeline_mode<synchronous>, transform_indices = @transform_3, window_bounds = array<i64: 48, 768>}, {pipeline_mode = #tpu.pipeline_mode<synchronous>, transform_indices = @transform_4, window_bounds = array<i64: 1, 48>}, {pipeline_mode = #tpu.pipeline_mode<synchronous>, transform_indices = @transform_5, window_bounds = array<i64: 768, 49>}, {transform_indices = @transform_6, window_bounds = array<i64: 1, 1024, 768>}]} {
    %get3A = arith.constant 0 : index
    %get3A_0 = arith.constant 0 : index
    %get3A_1 = arith.constant 0 : index
    %get3A_2 = vector.load %arg4[%get3A, %get3A_0, %get3A_1] : memref<1x1x768xf32, #tpu.memory_space<vmem>>, vector<1x1x768xf32>
    %get3A_3 = vector.shape_cast %get3A_2 : vector<1x1x768xf32> to vector<1x768xf32>
    %lt3A = arith.constant 32 : i32
    %lt3A_4 = arith.cmpi slt, %arg0, %lt3A : i32
    %get3A_5 = arith.constant 0 : index
    %get3A_6 = arith.constant 0 : index
    %get3A_7 = arith.constant 0 : index
    %get3A_8 = vector.load %arg2[%get3A_5, %get3A_6, %get3A_7] : memref<1x1024x768xf32, #tpu.memory_space<vmem>>, vector<1x1024x768xf32>
    %get3A_9 = vector.shape_cast %get3A_8 : vector<1x1024x768xf32> to vector<1024x768xf32>
    %get3A_10 = arith.constant 0 : index
    %get3A_11 = arith.constant 0 : index
    %get3A_12 = arith.constant 0 : index
    %get3A_13 = vector.load %arg3[%get3A_10, %get3A_11, %get3A_12] : memref<1x1024x768xf32, #tpu.memory_space<vmem>>, vector<1x1024x768xf32>
    %get3A_14 = vector.shape_cast %get3A_13 : vector<1x1024x768xf32> to vector<1024x768xf32>
    %select_n3A = arith.select %lt3A_4, %get3A_9, %get3A_14 : vector<1024x768xf32>
    %mul3A = arith.mulf %select_n3A, %select_n3A : vector<1024x768xf32>
    %reduce_sum3A = arith.constant dense<0.000000e+00> : vector<1024xf32>
    %reduce_sum3A_15 = vector.multi_reduction <add>, %mul3A, %reduce_sum3A [1] : vector<1024x768xf32> to vector<1024xf32>
    %broadcast_in_dim3A = vector.shape_cast %reduce_sum3A_15 : vector<1024xf32> to vector<1024x1xf32>
    %sqrt3A = math.sqrt %broadcast_in_dim3A : vector<1024x1xf32>
    %max3A = arith.constant 9.99999996E-13 : f32
    %max3A_16 = vector.broadcast %max3A : f32 to vector<1024x1xf32>
    %max3A_17 = arith.maximumf %sqrt3A, %max3A_16 : vector<1024x1xf32>
    %div3A = arith.constant 1.000000e+00 : f32
    %div3A_18 = vector.broadcast %div3A : f32 to vector<1024x1xf32>
    %div3A_19 = arith.divf %div3A_18, %max3A_17 : vector<1024x1xf32>
    %dot_general3A = arith.constant dense<0.000000e+00> : vector<1024x1xf32>
    %dot_general3A_20 = tpu.matmul %select_n3A, %get3A_3, %dot_general3A {dimension_numbers = #tpu.dot_dimension_numbers<[1], [1], [0], [0], [0, 0, 1, 0], [], []>, transpose_lhs_hint = false} : vector<1024x768xf32>, vector<1x768xf32>, vector<1024x1xf32> -> vector<1024x1xf32>
    %mul3A_21 = arith.mulf %dot_general3A_20, %div3A_19 : vector<1024x1xf32>
    %jit3A = arith.constant 0.000000e+00 : f32
    %jit3A_22 = arith.constant 6.000000e+00 : f32
    %max3A_23 = vector.broadcast %jit3A : f32 to vector<1024x1xf32>
    %max3A_24 = arith.maximumf %max3A_23, %mul3A_21 : vector<1024x1xf32>
    %min3A = vector.broadcast %jit3A_22 : f32 to vector<1024x1xf32>
    %min3A_25 = arith.minimumf %min3A, %max3A_24 : vector<1024x1xf32>
    %add3A = arith.constant 1.000000e+00 : f32
    %add3A_26 = vector.broadcast %add3A : f32 to vector<1024x1xf32>
    %add3A_27 = arith.addf %add3A_26, %min3A_25 : vector<1024x1xf32>
    %get3A_28 = arith.constant 0 : index
    %get3A_29 = arith.constant 0 : index
    %get3A_30 = vector.load %arg5[%get3A_28, %get3A_29] : memref<48x768xf32, #tpu.memory_space<vmem>>, vector<48x768xf32>
    %dot_general3A_31 = arith.constant dense<0.000000e+00> : vector<1024x48xf32>
    %dot_general3A_32 = tpu.matmul %select_n3A, %get3A_30, %dot_general3A_31 {dimension_numbers = #tpu.dot_dimension_numbers<[1], [1], [0], [0], [0, 0, 1, 0], [], []>, transpose_lhs_hint = false} : vector<1024x768xf32>, vector<48x768xf32>, vector<1024x48xf32> -> vector<1024x48xf32>
    %mul3A_33 = vector.broadcast %add3A_27 : vector<1024x1xf32> to vector<1024x48xf32>
    %mul3A_34 = arith.mulf %dot_general3A_32, %mul3A_33 : vector<1024x48xf32>
    %get3A_35 = arith.constant 0 : index
    %get3A_36 = arith.constant 0 : index
    %get3A_37 = vector.load %arg6[%get3A_35, %get3A_36] : memref<1x48xf32, #tpu.memory_space<vmem>>, vector<1x48xf32>
    %add3A_38 = vector.broadcast %get3A_37 : vector<1x48xf32> to vector<1024x48xf32>
    %add3A_39 = arith.addf %mul3A_34, %add3A_38 : vector<1024x48xf32>
    %max3A_40 = arith.constant 0.000000e+00 : f32
    %max3A_41 = vector.broadcast %max3A_40 : f32 to vector<1024x48xf32>
    %max3A_42 = arith.maximumf %add3A_39, %max3A_41 : vector<1024x48xf32>
    %broadcast_in_dim3A_43 = arith.constant 1.000000e+00 : f32
    %broadcast_in_dim3A_44 = vector.broadcast %broadcast_in_dim3A_43 : f32 to vector<1024x1xf32>
    %concatenate3A = tpu.concatenate %max3A_42, %broadcast_in_dim3A_44 in 1 : vector<1024x48xf32>, vector<1024x1xf32> -> vector<1024x49xf32>
    %get3A_45 = arith.constant 0 : index
    %get3A_46 = arith.constant 0 : index
    %get3A_47 = vector.load %arg7[%get3A_45, %get3A_46] : memref<768x49xf32, #tpu.memory_space<vmem>>, vector<768x49xf32>
    %dot_general3A_48 = arith.constant dense<0.000000e+00> : vector<1024x768xf32>
    %dot_general3A_49 = tpu.matmul %concatenate3A, %get3A_47, %dot_general3A_48 {dimension_numbers = #tpu.dot_dimension_numbers<[1], [1], [0], [0], [0, 0, 1, 0], [], []>, transpose_lhs_hint = false} : vector<1024x49xf32>, vector<768x49xf32>, vector<1024x768xf32> -> vector<1024x768xf32>
    %swap3A = arith.constant 0 : index
    %swap3A_50 = arith.constant 0 : index
    %swap3A_51 = arith.constant 0 : index
    %swap3A_52 = vector.load %arg8[%swap3A, %swap3A_50, %swap3A_51] : memref<1x1024x768xf32, #tpu.memory_space<vmem>>, vector<1x1024x768xf32>
    %swap3A_53 = vector.shape_cast %swap3A_52 : vector<1x1024x768xf32> to vector<1024x768xf32>
    %swap3A_54 = vector.shape_cast %dot_general3A_49 : vector<1024x768xf32> to vector<1x1024x768xf32>
    tpu.vector_store %arg8[%swap3A, %swap3A_50, %swap3A_51], %swap3A_54 {strides = array<i32>} : memref<1x1024x768xf32, #tpu.memory_space<vmem>>, vector<1x1024x768xf32>,
    return
  }
  func.func @transform_0(%arg0: i32, %arg1: i32) -> (i32, i32, i32) {
    %min3A = arith.constant 31 : i32
    %min3A_0 = arith.minsi %arg0, %min3A : i32
    %lt3A = arith.constant 32 : i32
    %lt3A_1 = arith.cmpi slt, %arg0, %lt3A : i32
    %jit3A = arith.constant 0 : i32
    %select_n3A = arith.select %lt3A_1, %arg1, %jit3A : i32
    %c0_i32 = arith.constant 0 : i32
    %c0_i32_2 = arith.constant 0 : i32
    return %min3A_0, %select_n3A, %c0_i32 : i32, i32, i32
  }
  func.func @transform_1(%arg0: i32, %arg1: i32) -> (i32, i32, i32) {
    %sub3A = arith.constant 32 : i32
    %sub3A_0 = arith.subi %arg0, %sub3A : i32
    %max3A = arith.constant 0 : i32
    %max3A_1 = arith.maxsi %sub3A_0, %max3A : i32
    %lt3A = arith.constant 32 : i32
    %lt3A_2 = arith.cmpi slt, %arg0, %lt3A : i32
    %jit3A = arith.constant 0 : i32
    %select_n3A = arith.select %lt3A_2, %jit3A, %arg1 : i32
    %c0_i32 = arith.constant 0 : i32
    %c0_i32_3 = arith.constant 0 : i32
    return %max3A_1, %select_n3A, %c0_i32 : i32, i32, i32
  }
  func.func @transform_2(%arg0: i32, %arg1: i32) -> (i32, i32, i32) {
    %lt3A = arith.constant 32 : i32
    %lt3A_0 = arith.cmpi slt, %arg0, %lt3A : i32
    %jit3A = arith.constant 4 : i32
    %div3A = arith.divsi %arg0, %jit3A : i32
    %sign3A = arith.constant 0 : i32
    %sign3A_1 = arith.cmpi sgt, %arg0, %sign3A : i32
    %sign3A_2 = arith.extui %sign3A_1 : i1 to i32
    %sign3A_3 = arith.constant 0 : i32
    %sign3A_4 = arith.cmpi slt, %arg0, %sign3A_3 : i32
    %sign3A_5 = arith.extui %sign3A_4 : i1 to i32
    %sign3A_6 = arith.subi %sign3A_2, %sign3A_5 : i32
    %sign3A_7 = arith.constant 0 : i32
    %sign3A_8 = arith.cmpi sgt, %jit3A, %sign3A_7 : i32
    %sign3A_9 = arith.extui %sign3A_8 : i1 to i32
    %sign3A_10 = arith.constant 0 : i32
    %sign3A_11 = arith.cmpi slt, %jit3A, %sign3A_10 : i32
    %sign3A_12 = arith.extui %sign3A_11 : i1 to i32
    %sign3A_13 = arith.subi %sign3A_9, %sign3A_12 : i32
    %ne3A = arith.cmpi ne, %sign3A_6, %sign3A_13 : i32
    %rem3A = arith.remsi %arg0, %jit3A : i32
    %ne3A_14 = arith.constant 0 : i32
    %ne3A_15 = arith.cmpi ne, %rem3A, %ne3A_14 : i32
    %and3A = arith.andi %ne3A, %ne3A_15 : i1
    %sub3A = arith.constant 1 : i32
    %sub3A_16 = arith.subi %div3A, %sub3A : i32
    %select_n3A = arith.select %and3A, %sub3A_16, %div3A : i32
    %sub3A_17 = arith.constant 32 : i32
    %sub3A_18 = arith.subi %arg0, %sub3A_17 : i32
    %select_n3A_19 = arith.select %lt3A_0, %select_n3A, %sub3A_18 : i32
    %c0_i32 = arith.constant 0 : i32
    %c0_i32_20 = arith.constant 0 : i32
    %c0_i32_21 = arith.constant 0 : i32
    return %select_n3A_19, %c0_i32, %c0_i32_20 : i32, i32, i32
  }
  func.func @transform_3(%arg0: i32, %arg1: i32) -> (i32, i32) {
    %c0_i32 = arith.constant 0 : i32
    %c0_i32_0 = arith.constant 0 : i32
    %c0_i32_1 = arith.constant 0 : i32
    return %c0_i32, %c0_i32_0 : i32, i32
  }
  func.func @transform_4(%arg0: i32, %arg1: i32) -> (i32, i32) {
    %c0_i32 = arith.constant 0 : i32
    %c0_i32_0 = arith.constant 0 : i32
    %c0_i32_1 = arith.constant 0 : i32
    return %c0_i32, %c0_i32_0 : i32, i32
  }
  func.func @transform_5(%arg0: i32, %arg1: i32) -> (i32, i32) {
    %c0_i32 = arith.constant 0 : i32
    %c0_i32_0 = arith.constant 0 : i32
    %c0_i32_1 = arith.constant 0 : i32
    return %c0_i32, %c0_i32_0 : i32, i32
  }
  func.func @transform_6(%arg0: i32, %arg1: i32) -> (i32, i32, i32) {
    %c0_i32 = arith.constant 0 : i32
    %c0_i32_0 = arith.constant 0 : i32
    return %arg0, %arg1, %c0_i32 : i32, i32, i32
  }
}

</mosaic_0001>

<sc_bundles>
// kernel: kernel.5.cloned.1.call-start
scs
__scs_entry_jumppad:
0x0: {  	(pc) =	sbr.rel $0x88, $3  }
0x1: {  	(tag) =	ssettag $0x0;
	lr =	simm.s32 $0x1  }
0x2: {  	[smem:$0x3F99] =	sst lr;
	_ =	strace $0xD0000000  }
0x3: {  	_ = 	snop  }
0x4: {  	_ = 	snop  }
0x5: {  	_ = 	snop  }
0x6: {  	_ = 	snop  }
0x7: {  	_ = 	snop  }
__scs_overlays_trampoline_lowered:
0x8: {  	[smem:$0x3FA8] =	sst s0  }
0x9: {  	[smem:$0x3FA9] =	sst s1  }
0xa: {  	[smem:$0x3FAA] =	sst s2  }
0xb: {  	[smem:$0x3FAB] =	sst s3  }
0xc: {  	[smem:$0x3FAC] =	sst s4  }
0xd: {  	[smem:$0x3FAD] =	sst s5  }
0xe: {  	[smem:$0x3FAE] =	sst s6  }
0xf: {  	[smem:$0x3FAF] =	sst s7  }
0x10: {  	[smem:$0x3FB0] =	sst s8  }
0x11: {  	[smem:$0x3FB1] =	sst s9;
	s0 =	simm.s32 @!p0 $0x0  }
0x12: {  	s1 =	sld [smem:$0x3F97];
	s0 =	simm.s32 @p0 $0x1  }
0x13: {  	[smem:$0x3FB2] =	sst s0;
	s0 =	simm.s32 @!p1 $0x0  }
0x14: {  	s2 =	sld [smem:$0x3F96];
	s0 =	simm.s32 @p1 $0x1  }
0x15: {  	[smem:$0x3FB3] =	sst s0;
	s0 =	simm.s32 @!p2 $0x0  }
0x16: {  	s3 =	sld [smem:$0x3FDB];
	s0 =	simm.s32 @p2 $0x1  }
0x17: {  	s4 =	simm.s32 $0x1BF5;
	[smem:$0x3FB5] =	sst s0  }
0x18: {  	s0 =	sld [smem:$0x3F98];
	_ =	swait.ge [sflag:s4], $0x0  }
0x19: {  	s7 =	sld [smem:$0x3F99]  }
0x1a: {  	s8 =	sadd.s32 $0xFFFFE003, lr  }
0x1b: {  	s9 =	sadd.s32 $0xFFFFFEF7, lr;
	s5 =	simm.s32 $0xFFFFFFFF;
	p2 =	slt.u32 s8, $0xFFFFF086  }
0x1c: {  	p1 =	slt.u32 s9, $0xF7A;
	s5 =	simm.s32 @!p2 $0x0  }
0x1d: {  	s5 =	simm.s32 @p1 $0x1;
	p0 =	seq.s32 s7, s2  }
0x1e: {  	s7 =	smul.u32 @!p0 $0xF7A, s2;
	p2 =	seq.s32 @!p0 s5, $0x0  }
0x1f: {  	s9 =	smul.u32 $0xF7A, s1;
	s8 =	simm.s32 @!p0 $0x1BF5;
	p2 =	por !p2, p0  }
0x20: {  	[sflag:s8] =	ssyncset.s32 @!p0 $0xFFFFF086;
	s6 =	sadd.s32 @!p0 s3, s7;
	s7 =	simm.s32 @!p0 $0x108  }
0x21: {  	s3 =	sadd.s32 s3, s9;
	s6 =	sadd.s32 @!p0 $0x88, s6;
	s7 =	simm.s32 @p2 $0x1082  }
0x22: {  	[simem:s7], [sflag:s8] =	dma.local @!p0 [hbm:s6], $0xF7A  }
0x23: {  	s9 =	sor.u32 $0xD0000000, s2;
	s6 =	simm.s32 $0x108;
	_ =	swait.ge @!p0 [sflag:s8], $0x0  }
0x24: {  	s3 =	sadd.s32 $0x88, s3;
	s6 =	simm.s32 @!p1 $0x1082;
	[sflag:s4] =	ssyncset.s32 $0xFFFFF086  }
0x25: {  	[simem:s6], [sflag:s4] =	dma.local [hbm:s3], $0xF7A  }
0x26: {  	[smem:$0x3F99] =	sst s1;
	(tag) =	ssettag s2;
	_ =	strace s9  }
0x27: {  	s1 =	sld [smem:$0x3FA9]  }
0x28: {  	s2 =	sld [smem:$0x3FAA]  }
0x29: {  	s4 =	sld [smem:$0x3FAC]  }
0x2a: {  	p0 =	seq.s32 s5, $0x0;
	s5 =	sld [smem:$0x3FAD]  }
0x2b: {  	s6 =	sld [smem:$0x3FAE]  }
0x2c: {  	s7 =	sld [smem:$0x3FAF]  }
0x2d: {  	s3 =	simm.s32 $0x108;
	s8 =	sld [smem:$0x3FB0]  }
0x2e: {  	s3 =	simm.s32 @!p0 $0x1082;
	s9 =	sld [smem:$0x3FB1]  }
0x2f: {  	lr =	sadd.s32 s0, s3;
	s0 =	sld [smem:$0x3FA8]  }
0x30: {  	s3 =	sld [smem:$0x3FAB]  }
0x31: {  	[smem:$0x3FB4] =	sst s10  }
0x32: {  	s10 =	sld [smem:$0x3FB2];
	_ =	sdelay $0x3  }
0x33: {  	p0 =	seq.s32 s10, $0x1;
	s10 =	sld [smem:$0x3FB4];
	_ =	sdelay $0x3  }
0x34: {  	[smem:$0x3FB4] =	sst s10  }
0x35: {  	s10 =	sld [smem:$0x3FB3];
	_ =	sdelay $0x3  }
0x36: {  	p1 =	seq.s32 s10, $0x1;
	s10 =	sld [smem:$0x3FB4];
	_ =	sdelay $0x3  }
0x37: {  	[smem:$0x3FB4] =	sst s10  }
0x38: {  	s10 =	sld [smem:$0x3FB5]  }
0x39: {  	_ = 	snop;
	(pc) =	sbr.ind lr, $3  }
0x3a: {  	_ = 	snop  }
0x3b: {  	_ = 	snop  }
0x3c: {  	p2 =	seq.s32 s10, $0x1;
	s10 =	sld [smem:$0x3FB4]  }
0x3d: {  	_ =	shalt  }
0x3e: {  	_ =	shalt  }
0x3f: {  	_ =	shalt  }
0x40: {  	_ =	shalt  }
0x41: {  	_ =	shalt  }
0x42: {  	_ =	shalt  }
0x43: {  	_ =	shalt  }
0x44: {  	_ =	shalt  }
0x45: {  	_ =	shalt  }
0x46: {  	_ =	shalt  }
0x47: {  	_ =	shalt  }
0x48: {  	_ =	shalt  }
0x49: {  	_ =	shalt  }
0x4a: {  	_ =	shalt  }
0x4b: {  	_ =	shalt  }
0x4c: {  	_ =	shalt  }
0x4d: {  	_ =	shalt  }
0x4e: {  	_ =	shalt  }
0x4f: {  	_ =	shalt  }
0x50: {  	_ =	shalt  }
0x51: {  	_ =	shalt  }
0x52: {  	_ =	shalt  }
0x53: {  	_ =	shalt  }
0x54: {  	_ =	shalt  }
0x55: {  	_ =	shalt  }
0x56: {  	_ =	shalt  }
0x57: {  	_ =	shalt  }
0x58: {  	_ =	shalt  }
0x59: {  	_ =	shalt  }
0x5a: {  	_ =	shalt  }
0x5b: {  	_ =	shalt  }
0x5c: {  	_ =	shalt  }
0x5d: {  	_ =	shalt  }
0x5e: {  	_ =	shalt  }
0x5f: {  	_ =	shalt  }
0x60: {  	_ =	shalt  }
0x61: {  	_ =	shalt  }
0x62: {  	_ =	shalt  }
0x63: {  	_ =	shalt  }
0x64: {  	_ =	shalt  }
0x65: {  	_ =	shalt  }
0x66: {  	_ =	shalt  }
0x67: {  	_ =	shalt  }
0x68: {  	_ =	shalt  }
0x69: {  	_ =	shalt  }
0x6a: {  	_ =	shalt  }
0x6b: {  	_ =	shalt  }
0x6c: {  	_ =	shalt  }
0x6d: {  	_ =	shalt  }
0x6e: {  	_ =	shalt  }
0x6f: {  	_ =	shalt  }
0x70: {  	_ =	shalt  }
0x71: {  	_ =	shalt  }
0x72: {  	_ =	shalt  }
0x73: {  	_ =	shalt  }
0x74: {  	_ =	shalt  }
0x75: {  	_ =	shalt  }
0x76: {  	_ =	shalt  }
0x77: {  	_ =	shalt  }
0x78: {  	_ =	shalt  }
0x79: {  	_ =	shalt  }
0x7a: {  	_ =	shalt  }
0x7b: {  	_ =	shalt  }
0x7c: {  	_ =	shalt  }
0x7d: {  	_ =	shalt  }
0x7e: {  	_ =	shalt  }
0x7f: {  	_ =	shalt  }
0x80: {  	_ =	shalt  }
0x81: {  	_ =	shalt  }
0x82: {  	_ =	shalt  }
0x83: {  	_ =	shalt  }
0x84: {  	_ =	shalt  }
0x85: {  	_ =	shalt  }
0x86: {  	_ =	shalt  }
0x87: {  	_ =	shalt  }
.Lfunc_end0:
.L_simem_size_0:
called_computation_lowered:
.L_overlay_start_0:
0x88: {  	s2 =	sld [smem:$0x3FD9]  }
0x89: {  	s3 =	sld [smem:$0x3FFE];
	_ =	sdelay $0x1  }
0x8a: {  	s1 =	srdreg.scid  }
0x8b: {  	s0 =	sand.u32 $0x1, s1  }
0x8c: {  	s17 =	sshll.u32 s0, $0xA;
	s2 =	sadd.s32 s3, s2  }
0x8d: {  	s2 =	sadd.s32 s2, s17  }
0x8e: {  	[smem:$0x3FC0] =	sst s2  }
0x8f: {  	_ = 	snop  }
0x90: {  	s2 =	sld [smem:$0x3FD0];
	(tm) =	ssettm $0x1  }
0x91: {  	s18 =	sld [smem:$0x3FFB];
	_ =	sdelay $0x3  }
0x92: {  	_ =	strace s18  }
0x93: {  	s3 =	sld [smem:$0x3FFC];
	_ =	sdelay $0x3  }
0x94: {  	_ =	strace s3  }
0x95: {  	s3 =	sld [smem:$0x3FFD];
	_ =	sdelay $0x3  }
0x96: {  	_ =	strace s3  }
0x97: {  	_ =	strace $0x8FFFFFFF  }
0x98: {  	s19 =	sld [smem:$0x3FDB];
	_ =	sdelay $0x1  }
0x99: {  	s4 =	simm.s32 $_scs_section_size  }
0x9a: {  	s5 =	simm.s32 $_size__tile_overlayer_lowered;
	s6 =	simm.s32 $_tile_overlayer_lowered  }
0x9b: {  	s22 =	simm.s32 $0x1BFF;
	s21 =	sshll.u32 s6, $0x1;
	s3 =	sadd.s32 s4, s19  }
0x9c: {  	s7 =	simm.s32 $0x0;
	s20 =	sshll.u32 s5, $0x1;
	s5 =	sadd.s32 s21, s3  }
0x9d: {  	[timem:s7], [sflag:s22] =	dma.local [hbm:s5], s20  }
0x9e: {  	_ =	swait.ge [sflag:s22], s20  }
0x9f: {  	s4 =	ssub.s32 $0x0, s20;
	[sflag:s22] =	ssyncset.done $0x0  }
0xa0: {  	[sflag:s22] =	ssyncadd.s32 s4;
	_ =	sdelay $0x1  }
0xa1: {  	s23 =	simm.s32 $0x1B8B  }
0xa2: {  	_ =	swait.ge [sflag:s23], $0x1  }
0xa3: {  	[sflag:s23] =	ssyncset.done $0x0  }
0xa4: {  	s25 =	simm.s32 $0x1B8E;
	s24 =	sld [smem:$0x3FFE];
	[sflag:s23] =	ssyncadd.s32 $0xFFFFFFFF  }
0xa5: {  	s26 =	simm.s32 $execute0_lowered;
	[smem:$0x3FD2] =	sst s25  }
0xa6: {  	s5 =	sshll.u32 s26, $0x1;
	_ =	strace $0x80000046;
	[dreg:$0x1] =	wrdreg $0xFFFFFFFF  }
0xa7: {  	s28 =	simm.s32 $_size_execute0_lowered;
	s3 =	sadd.s32 s3, s5;
	[dreg:$0x0] =	wrdreg $0x0  }
0xa8: {  	s5 =	sshll.u32 s28, $0x1;
	[dreg:$0x2] =	wrdreg s3  }
0xa9: {  	[dreg:$0x3] =	wrdreg s5  }
0xaa: {  	[dreg:$0x4] =	wrdreg $0xC0  }
0xab: {  	_ =	task [dreg:s7], $0x5FFFF  }
0xac: {  	[dreg:$0x1] =	wrdreg $0xFFFFFFFF  }
0xad: {  	[dreg:$0x0] =	wrdreg $0x60  }
0xae: {  	[dreg:$0x2] =	wrdreg s24  }
0xaf: {  	[dreg:$0x3] =	wrdreg s2  }
0xb0: {  	[dreg:$0x4] =	wrdreg $0x9  }
0xb1: {  	_ =	task.clear_ibuf [dreg:s7], $0x5FFFF;
	_ =	strace $0x90000046  }
0xb2: {  	s29 =	simm.s32 $0x9;
	_ =	strace $0x80000048  }
0xb3: {  	_ =	swait.ge [sflag:s29], $0x1  }
0xb4: {  	[sflag:s29] =	ssyncadd.s32 $0xFFFFFFFF  }
0xb5: {  	_ =	strace $0x90000048  }
0xb6: {  	_ =	sfence  }
0xb7: {  	s30 =	sld [smem:$0x0];
	_ =	sdelay $0x2  }
0xb8: {  	s31 =	sshll.u32 s1, $0xD;
	s1 =	sshrl.u32 s1, $0x2  }
0xb9: {  	s3 =	sand.u32 $0x4000, s31;
	s1 =	sadd.s32 s1, s30  }
0xba: {  	s0 =	sor.u32 s3, s0;
	s1 =	sshll.u32 s1, $0x11  }
0xbb: {  	s0 =	sor.u32 s1, s0  }
0xbc: {  	s0 =	sadd.s32 $0x8F2B, s0  }
0xbd: {  	[sflag:s0] =	ssyncadd.remote.s32 $0x1  }
0xbe: {  	_ =	sfence.sel $0xFFFF  }
0xbf: {  	[dreg:$0x0] =	wrdreg $0xFFFFFFFF;
	(pc) =	sbr.abs _section_cstart, $3  }
0xc0: {  	[dreg:$0x1] =	wrdreg $0xFFFFFFFF  }
0xc1: {  	_ =	task.clear_ibuf [dreg:s7], $0x2FFFF;
	_ =	strace $0x9FFFFFFF  }
0xc2: {  	(tm) =	ssettm $0x7FFFFFFF  }
0xc3: {  	_ =	shalt  }
tec
execute0_lowered:
.L_overlay_start_1:
0x0: {  	(tag) =	ssettag $0x1  }
0x1: {  	v0 =	vlaneseq.u32  }
0x2: {  	s5 =	rddreg [dreg:$0x0];
	v27 =	vimm.s32 $0xA00;
	vm0 =	vcmask $0x300;
	vm12 =	vcmask $0x704  }
0x3: {  	s1 =	rddreg [dreg:$0x1];
	vm13 =	vcmask $0xB08;
	vm14 =	vcmask $0xF0C;
	vm15 =	vcmask $0x1310  }
0x4: {  	s0 =	rddreg [dreg:$0x2];
	s4 =	srdreg.scid;
	s3 =	simm.s32 $0x0;
	v1 =	vor.u32 $0x10, v0;
	v2 =	vor.u32 $0x20, v0;
	v3 =	vor.u32 $0x30, v0  }
0x5: {  	s2 =	stileid.u32;
	s12 =	simm.s32 $0xE00;
	s13 =	simm.s32 $0x2;
	v4 =	vor.u32 $0x40, v0;
	v5 =	vor.u32 $0x50, v0;
	v6 =	vor.u32 $0x60, v0  }
0x6: {  	s14 =	simm.s32 $0x80;
	s15 =	simm.s32 $0x100;
	s16 =	simm.s32 $0x180;
	v7 =	vor.u32 $0x70, v0;
	v8 =	vor.u32 $0x80, v0;
	v9 =	vor.u32 $0x90, v0  }
0x7: {  	s17 =	simm.s32 $0xA80;
	s18 =	simm.s32 $0x10;
	s19 =	simm.s32 $0x200;
	v10 =	vor.u32 $0xA0, v0;
	v11 =	vor.u32 $0xB0, v0;
	v12 =	vor.u32 $0xC0, v0  }
0x8: {  	s20 =	simm.s32 $0x280;
	s21 =	simm.s32 $0x1;
	s22 =	simm.s32 $0x400;
	v13 =	vor.u32 $0xD0, v0;
	v14 =	vor.u32 $0xE0, v0;
	v15 =	vor.u32 $0xF0, v0  }
0x9: {  	s23 =	simm.s32 $0xB00;
	s4 =	sand.u32 $0x1, s4;
	[smem:$0x7FF] =	sst s3;
	v16 =	vor.u32 $0x100, v0;
	v17 =	vor.u32 $0x110, v0;
	v18 =	vor.u32 $0x120, v0  }
0xa: {  	s6 =	sshll.u32 s2, $0x5;
	v19 =	vor.u32 $0x130, v0;
	v20 =	vor.u32 $0x140, v0;
	v21 =	vor.u32 $0x150, v0;
	p0 =	sgt.u32 s2, $0x3;
	s7 =	sshll.u32 s4, $0x4  }
.Ltmp0:
0xb: {  	v22 =	vor.u32 $0x160, v0;
	v23 =	vor.u32 $0x170, v0;
	v28 =	vsel vm0, $0x0, v27;
	s30 =	ssub.s32 $0x2, s4;
	s6 =	sor.u32 s7, s6;
	(pc) =	sbr.rel .LBB2_1-.Ltmp0, $4  }
0xc: {  	v24 =	vor.u32 $0x180, v0;
	v25 =	vor.u32 $0x190, v0;
	_ =	strace $0x80000047;
	v29 =	vsel vm12, $0x200, v28;
	s31 =	sshrl.u32 s30, $0x1;
	s10 =	sadd.s32 s6, s5  }
0xd: {  	v26 =	vor.u32 $0x1A0, v0;
	v27 =	vor.u32 $0x1B0, v0;
	s4 =	sadd.s32 $0x1A00, s5;
	v30 =	vsel vm13, $0x400, v29;
	s11 =	ssub.s32 s30, s31;
	s5 =	sadd.s32 $0x1600, s10  }
0xe: {  	v31 =	vor.u32 $0x1F0, v0;
	v28 =	vor.u32 $0x1C0, v0;
	v32 =	vsel vm14, $0x600, v30;
	s6 =	sadd.s32 $0x1680, s10;
	s7 =	sadd.s32 $0x1700, s10;
	s8 =	sadd.s32 $0x1780, s10  }
0xf: {  	v29 =	vor.u32 $0x1D0, v0;
	v30 =	vor.u32 $0x1E0, v0;
	s9 =	sadd.s32 $0x1800, s10;
	s10 =	sadd.s32 $0x1C00, s10;
	s11 =	smax.u32 s11, $0x1;
	v32 =	vsel vm15, $0x800, v32  }
.LBB2_3:
0x10: {  	s11 =	sadd.s32 $0xFFFFFFFF, s11  }
0x11: {  	p1 =	sne.s32 s11, $0x0  }
.Ltmp1:
0x12: {  	_ = 	snop;
	(pc) =	sbr.rel @!p1 .LBB2_4-.Ltmp1, $1  }
0x13: {  	_ =	sdelay $0x3  }
.LBB2_1:
.Ltmp2:
0x14: {  	(pc) =	sbr.rel @p0 .LBB2_3-.Ltmp2, $4  }
0x15: {  	[tilespmem:s12], [sflag:$0x2] =	stream.linear.gather [hbm4b:s4+s3], $0x1, $0x38;
	[tilespmem:$0xE80] =	vst v63  }
0x16: {  	_ =	swait.ge [sflag:s13], $0x1  }
0x17: {  	[sflag:s13] =	ssyncset.done $0x0  }
0x18: {  	[sflag:s13] =	ssyncadd.s32 $0xFFFFFFFF  }
0x19: {  	v33 =	vld [tilespmem:$0xE00];
	_ =	sdelay $0x4  }
0x1a: {  	(v2sf) =	vpush v33, $0x0;
	_ =	sdelay $0xd  }
0x1b: {  	[tilespmem:s3], [sflag:$0x2] =	stream.linear.gather [hbm4b:s5+s3], $0x80, $0x38;
	[tilespmem:$0xE80] =	vst v63  }
0x1c: {  	s24 =	spop (v2sf)  }
0x1d: {  	_ =	swait.ge [sflag:s13], $0x80  }
0x1e: {  	[sflag:s13] =	ssyncset.done $0x0  }
0x1f: {  	[sflag:s13] =	ssyncadd.s32 $0xFFFFFF80  }
0x20: {  	[tilespmem:s14], [sflag:$0x2] =	stream.linear.gather [hbm4b:s6+s3], $0x80, $0x38;
	[tilespmem:$0xE80] =	vst v63  }
0x21: {  	_ =	swait.ge [sflag:s13], $0x80  }
0x22: {  	[sflag:s13] =	ssyncset.done $0x0  }
0x23: {  	[sflag:s13] =	ssyncadd.s32 $0xFFFFFF80  }
0x24: {  	[tilespmem:s15], [sflag:$0x2] =	stream.linear.gather [hbm4b:s7+s3], $0x80, $0x38;
	[tilespmem:$0xE80] =	vst v63  }
0x25: {  	_ =	swait.ge [sflag:s13], $0x80  }
0x26: {  	[sflag:s13] =	ssyncset.done $0x0  }
0x27: {  	[sflag:s13] =	ssyncadd.s32 $0xFFFFFF80  }
0x28: {  	[tilespmem:s16], [sflag:$0x2] =	stream.linear.gather [hbm4b:s8+s3], $0x80, $0x38;
	[tilespmem:$0xE80] =	vst v63  }
0x29: {  	_ =	swait.ge [sflag:s13], $0x80  }
0x2a: {  	[sflag:s13] =	ssyncset.done $0x0  }
0x2b: {  	[sflag:s13] =	ssyncadd.s32 $0xFFFFFF80  }
0x2c: {  	[tilespmem:s17], [sflag:$0x2] =	stream.linear.gather [hbm4b:s9+s3], $0x80, $0x38;
	[tilespmem:$0xE80] =	vst v63  }
0x2d: {  	_ =	swait.ge [sflag:s13], $0x80  }
0x2e: {  	[sflag:s13] =	ssyncset.done $0x0  }
0x2f: {  	[sflag:s13] =	ssyncadd.s32 $0xFFFFFF80  }
0x30: {  	v34 =	vld [tilespmem:$0x0];
	_ =	sdelay $0x2  }
0x31: {  	v35 =	vld [tilespmem:$0x10];
	_ =	sdelay $0x1  }
0x32: {  	v36 =	vld [tilespmem:$0x20];
	vm0 =	vlt.f32 v34, $-Inf;
	vm1 =	vgt.f32 v34, $-Inf  }
0x33: {  	vm0 =	vmor vm1, vm0  }
0x34: {  	v37 =	vimm.s32 $0x0;
	v45 =	vld [tilespmem:$0x30];
	v34 =	vnsel vm0, $0xFF800000, v34  }
0x35: {  	v37 =	vsel vm0, $0xFFFFFFFF, v37;
	vm0 =	vgt.f32 v35, v34  }
0x36: {  	v46 =	vld [tilespmem:$0x40];
	v34 =	vsel vm0, v35, v34  }
0x37: {  	vm2 =	vgt.f32 v36, v34  }
0x38: {  	v47 =	vld [tilespmem:$0x50];
	v34 =	vsel vm2, v36, v34  }
0x39: {  	vm3 =	vgt.f32 v45, v34  }
0x3a: {  	v48 =	vld [tilespmem:$0x60];
	v34 =	vsel vm3, v45, v34  }
0x3b: {  	vm4 =	vgt.f32 v46, v34  }
0x3c: {  	v49 =	vld [tilespmem:$0x70];
	v34 =	vsel vm4, v46, v34  }
0x3d: {  	vm5 =	vgt.f32 v47, v34  }
0x3e: {  	v50 =	vld [tilespmem:$0x80];
	v34 =	vsel vm5, v47, v34  }
0x3f: {  	vm6 =	vgt.f32 v48, v34  }
0x40: {  	v51 =	vld [tilespmem:$0x90];
	v34 =	vsel vm6, v48, v34  }
0x41: {  	vm7 =	vgt.f32 v49, v34  }
0x42: {  	v52 =	vld [tilespmem:$0xA0];
	v34 =	vsel vm7, v49, v34  }
0x43: {  	vm8 =	vgt.f32 v50, v34  }
0x44: {  	v53 =	vld [tilespmem:$0xB0];
	v34 =	vsel vm8, v50, v34  }
0x45: {  	vm9 =	vgt.f32 v51, v34  }
0x46: {  	v54 =	vld [tilespmem:$0xC0];
	v34 =	vsel vm9, v51, v34  }
0x47: {  	vm10 =	vgt.f32 v52, v34  }
0x48: {  	v55 =	vld [tilespmem:$0xD0];
	v34 =	vsel vm10, v52, v34  }
0x49: {  	vm11 =	vgt.f32 v53, v34  }
0x4a: {  	v56 =	vld [tilespmem:$0xE0];
	v34 =	vsel vm11, v53, v34  }
0x4b: {  	vm12 =	vgt.f32 v54, v34  }
0x4c: {  	v38 =	vimm.s32 $0x0;
	v57 =	vld [tilespmem:$0xF0];
	v34 =	vsel vm12, v54, v34  }
0x4d: {  	v58 =	vld [tilespmem:$0x100];
	[tilespmem:$0x1FFE0] =	vst v37;
	v38 =	vsel vm0, $0xFFFFFFFF, v38;
	vm13 =	vgt.f32 v55, v34  }
0x4e: {  	v61 =	vld [tilespmem:$0x1FFE0];
	[tilespmem:$0x1FFF0] =	vst v38;
	v34 =	vsel vm13, v55, v34  }
0x4f: {  	v63 =	vld [tilespmem:$0x1FFF0];
	vm14 =	vgt.f32 v56, v34  }
0x50: {  	v59 =	vld [tilespmem:$0x110];
	v34 =	vsel vm14, v56, v34  }
0x51: {  	vm15 =	vgt.f32 v57, v34  }
0x52: {  	v33 =	vbroadcast v33, $0x0;
	v60 =	vld [tilespmem:$0x120];
	v34 =	vsel vm15, v57, v34  }
0x53: {  	vm1 =	vnez.u8 v61;
	vm0 =	vgt.f32 v58, v34  }
0x54: {  	v62 =	vld [tilespmem:$0x130];
	v33 =	vsel vm1, v0, v33;
	vm1 =	vnez.u8 v63;
	v34 =	vsel vm0, v58, v34  }
0x55: {  	v33 =	vsel vm1, v1, v33;
	vm1 =	vgt.f32 v59, v34  }
0x56: {  	v40 =	vld [tilespmem:$0x140];
	v33 =	vsel vm2, v2, v33;
	v34 =	vsel vm1, v59, v34  }
0x57: {  	v33 =	vsel vm3, v3, v33;
	vm2 =	vgt.f32 v60, v34  }
0x58: {  	v41 =	vld [tilespmem:$0x150];
	v33 =	vsel vm4, v4, v33;
	v34 =	vsel vm2, v60, v34  }
0x59: {  	v33 =	vsel vm5, v5, v33;
	vm3 =	vgt.f32 v62, v34  }
0x5a: {  	v42 =	vld [tilespmem:$0x160];
	v33 =	vsel vm6, v6, v33;
	v34 =	vsel vm3, v62, v34  }
0x5b: {  	v33 =	vsel vm7, v7, v33;
	vm4 =	vgt.f32 v40, v34  }
0x5c: {  	v43 =	vld [tilespmem:$0x170];
	v33 =	vsel vm8, v8, v33;
	v34 =	vsel vm4, v40, v34  }
0x5d: {  	v33 =	vsel vm9, v9, v33;
	vm5 =	vgt.f32 v41, v34  }
0x5e: {  	v44 =	vld [tilespmem:$0x180];
	v33 =	vsel vm10, v10, v33;
	v34 =	vsel vm5, v41, v34  }
0x5f: {  	v33 =	vsel vm11, v11, v33;
	vm6 =	vgt.f32 v42, v34  }
0x60: {  	v45 =	vld [tilespmem:$0x190];
	v33 =	vsel vm12, v12, v33;
	v34 =	vsel vm6, v42, v34  }
0x61: {  	v33 =	vsel vm13, v13, v33;
	vm13 =	vgt.f32 v43, v34  }
0x62: {  	v46 =	vld [tilespmem:$0x1A0];
	v33 =	vsel vm14, v14, v33;
	v34 =	vsel vm13, v43, v34  }
0x63: {  	v33 =	vsel vm15, v15, v33;
	vm15 =	vgt.f32 v44, v34  }
0x64: {  	v47 =	vld [tilespmem:$0x1B0];
	v33 =	vsel vm0, v16, v33;
	v34 =	vsel vm15, v44, v34  }
0x65: {  	v33 =	vsel vm1, v17, v33;
	vm9 =	vgt.f32 v45, v34  }
0x66: {  	v48 =	vld [tilespmem:$0x1C0];
	v33 =	vsel vm2, v18, v33;
	v34 =	vsel vm9, v45, v34  }
0x67: {  	v33 =	vsel vm3, v19, v33;
	vm10 =	vgt.f32 v46, v34  }
0x68: {  	v49 =	vld [tilespmem:$0x1D0];
	v33 =	vsel vm4, v20, v33;
	v34 =	vsel vm10, v46, v34  }
0x69: {  	v33 =	vsel vm5, v21, v33;
	vm11 =	vgt.f32 v47, v34  }
0x6a: {  	v50 =	vld [tilespmem:$0x1E0];
	v33 =	vsel vm6, v22, v33;
	v34 =	vsel vm11, v47, v34  }
0x6b: {  	v33 =	vsel vm13, v23, v33;
	vm12 =	vgt.f32 v48, v34  }
0x6c: {  	v51 =	vld [tilespmem:$0x1F0];
	v33 =	vsel vm15, v24, v33;
	v34 =	vsel vm12, v48, v34  }
0x6d: {  	v33 =	vsel vm9, v25, v33;
	vm13 =	vgt.f32 v49, v34  }
0x6e: {  	v33 =	vsel vm10, v26, v33;
	v34 =	vsel vm13, v49, v34  }
0x6f: {  	v33 =	vsel vm11, v27, v33;
	vm14 =	vgt.f32 v50, v34  }
0x70: {  	v33 =	vsel vm12, v28, v33;
	v34 =	vsel vm14, v50, v34  }
0x71: {  	v33 =	vsel vm13, v29, v33;
	vm15 =	vgt.f32 v51, v34  }
0x72: {  	v33 =	vsel vm14, v30, v33;
	v34 =	vsel vm15, v51, v34  }
0x73: {  	v33 =	vsel vm15, v31, v33;
	(v2sf) =	vpush v34, $0x0  }
0x74: {  	(v2sf) =	vpush v33, $0x0;
	_ =	sdelay $0x4  }
0x75: {  	(v2sf) =	vpush v34, $0x1;
	_ =	sdelay $0x2  }
0x76: {  	(v2sf) =	vpush v33, $0x1;
	_ =	sdelay $0x4  }
0x77: {  	(v2sf) =	vpush v34, $0x2  }
0x78: {  	(v2sf) =	vpush v33, $0x2;
	s25 =	spop (v2sf)  }
0x79: {  	s26 =	spop (v2sf);
	p1 =	seq.f32 s25, $-Inf  }
0x7a: {  	p2 =	slt.s32 s26, s24  }
0x7b: {  	p3 =	sgt.f32 s25, $-Inf;
	p1 =	por !p1, !p2  }
0x7c: {  	p1 =	por !p1, !p1  }
0x7d: {  	(v2sf) =	vpush v34, $0x3;
	p1 =	por p3, p1  }
0x7e: {  	s24 =	smov.u32 @p1 s26;
	s26 =	spop (v2sf);
	(v2sf) =	vpush v33, $0x3;
	_ =	sdelay $0x1  }
0x7f: {  	s25 =	simm.s32 @!p1 $0xFF800000  }
0x80: {  	s28 =	spop (v2sf);
	p4 =	seq.f32 s26, s25  }
0x81: {  	p5 =	slt.s32 s28, s24  }
0x82: {  	p6 =	sgt.f32 s26, s25;
	(v2sf) =	vpush v34, $0x4;
	p1 =	por !p4, !p5  }
0x83: {  	p1 =	por !p1, !p1  }
0x84: {  	p1 =	por p6, p1  }
0x85: {  	s25 =	smov.u32 @p1 s26;
	s26 =	spop (v2sf);
	(v2sf) =	vpush v33, $0x4  }
0x86: {  	s24 =	smov.u32 @p1 s28;
	s28 =	spop (v2sf);
	p4 =	seq.f32 s26, s25  }
0x87: {  	p5 =	slt.s32 s28, s24  }
0x88: {  	p6 =	sgt.f32 s26, s25;
	p1 =	por !p4, !p5  }
0x89: {  	p1 =	por !p1, !p1  }
0x8a: {  	(v2sf) =	vpush v34, $0x5;
	p1 =	por p6, p1  }
0x8b: {  	s25 =	smov.u32 @p1 s26;
	s26 =	spop (v2sf);
	(v2sf) =	vpush v33, $0x5  }
0x8c: {  	s24 =	smov.u32 @p1 s28;
	p4 =	seq.f32 s26, s25;
	s28 =	spop (v2sf)  }
0x8d: {  	p5 =	slt.s32 s28, s24  }
0x8e: {  	p6 =	sgt.f32 s26, s25;
	p1 =	por !p4, !p5  }
0x8f: {  	p1 =	por !p1, !p1  }
0x90: {  	(v2sf) =	vpush v34, $0x6;
	p1 =	por p6, p1  }
0x91: {  	s25 =	smov.u32 @p1 s26;
	s26 =	spop (v2sf);
	(v2sf) =	vpush v33, $0x6;
	_ =	sdelay $0x2  }
0x92: {  	s24 =	smov.u32 @p1 s28;
	s28 =	spop (v2sf);
	p4 =	seq.f32 s26, s25  }
0x93: {  	p5 =	slt.s32 s28, s24  }
0x94: {  	p6 =	sgt.f32 s26, s25;
	(v2sf) =	vpush v34, $0x7;
	p1 =	por !p4, !p5  }
0x95: {  	p1 =	por !p1, !p1  }
0x96: {  	p1 =	por p6, p1  }
0x97: {  	s25 =	smov.u32 @p1 s26;
	s26 =	spop (v2sf);
	(v2sf) =	vpush v33, $0x7  }
0x98: {  	s24 =	smov.u32 @p1 s28;
	s28 =	spop (v2sf);
	p4 =	seq.f32 s26, s25  }
0x99: {  	p5 =	slt.s32 s28, s24  }
0x9a: {  	p6 =	sgt.f32 s26, s25;
	p1 =	por !p4, !p5  }
0x9b: {  	p1 =	por !p1, !p1  }
0x9c: {  	(v2sf) =	vpush v34, $0x8;
	p1 =	por p6, p1  }
0x9d: {  	s25 =	smov.u32 @p1 s26;
	s26 =	spop (v2sf);
	(v2sf) =	vpush v33, $0x8  }
0x9e: {  	s24 =	smov.u32 @p1 s28;
	p4 =	seq.f32 s26, s25;
	s28 =	spop (v2sf)  }
0x9f: {  	p5 =	slt.s32 s28, s24  }
0xa0: {  	p6 =	sgt.f32 s26, s25;
	p1 =	por !p4, !p5  }
0xa1: {  	p1 =	por !p1, !p1  }
0xa2: {  	(v2sf) =	vpush v34, $0x9;
	p1 =	por p6, p1  }
0xa3: {  	s25 =	smov.u32 @p1 s26;
	s26 =	spop (v2sf);
	(v2sf) =	vpush v33, $0x9;
	_ =	sdelay $0x2  }
0xa4: {  	s24 =	smov.u32 @p1 s28;
	s28 =	spop (v2sf);
	p4 =	seq.f32 s26, s25  }
0xa5: {  	p5 =	slt.s32 s28, s24  }
0xa6: {  	p6 =	sgt.f32 s26, s25;
	(v2sf) =	vpush v34, $0xA;
	p1 =	por !p4, !p5  }
0xa7: {  	p1 =	por !p1, !p1  }
0xa8: {  	p1 =	por p6, p1  }
0xa9: {  	s25 =	smov.u32 @p1 s26;
	s26 =	spop (v2sf);
	(v2sf) =	vpush v33, $0xA  }
0xaa: {  	s24 =	smov.u32 @p1 s28;
	s28 =	spop (v2sf);
	p4 =	seq.f32 s26, s25  }
0xab: {  	p5 =	slt.s32 s28, s24  }
0xac: {  	p6 =	sgt.f32 s26, s25;
	p1 =	por !p4, !p5  }
0xad: {  	p1 =	por !p1, !p1  }
0xae: {  	(v2sf) =	vpush v34, $0xB;
	p1 =	por p6, p1  }
0xaf: {  	s25 =	smov.u32 @p1 s26;
	s26 =	spop (v2sf);
	(v2sf) =	vpush v33, $0xB  }
0xb0: {  	s24 =	smov.u32 @p1 s28;
	p4 =	seq.f32 s26, s25;
	s28 =	spop (v2sf)  }
0xb1: {  	p5 =	slt.s32 s28, s24  }
0xb2: {  	p6 =	sgt.f32 s26, s25;
	p1 =	por !p4, !p5  }
0xb3: {  	p1 =	por !p1, !p1  }
0xb4: {  	(v2sf) =	vpush v34, $0xC;
	p1 =	por p6, p1  }
0xb5: {  	s25 =	smov.u32 @p1 s26;
	s26 =	spop (v2sf);
	(v2sf) =	vpush v33, $0xC;
	_ =	sdelay $0x2  }
0xb6: {  	s24 =	smov.u32 @p1 s28;
	s28 =	spop (v2sf);
	p4 =	seq.f32 s26, s25  }
0xb7: {  	p5 =	slt.s32 s28, s24  }
0xb8: {  	p6 =	sgt.f32 s26, s25;
	(v2sf) =	vpush v34, $0xD;
	p1 =	por !p4, !p5  }
0xb9: {  	(v2sf) =	vpush v33, $0xD;
	p1 =	por !p1, !p1  }
0xba: {  	p1 =	por p6, p1  }
0xbb: {  	s25 =	smov.u32 @p1 s26;
	s26 =	spop (v2sf)  }
0xbc: {  	s24 =	smov.u32 @p1 s28;
	s28 =	spop (v2sf);
	p4 =	seq.f32 s26, s25  }
0xbd: {  	p5 =	slt.s32 s28, s24  }
0xbe: {  	(v2sf) =	vpush v34, $0xE;
	p6 =	sgt.f32 s26, s25;
	p1 =	por !p4, !p5  }
0xbf: {  	(v2sf) =	vpush v33, $0xE;
	p1 =	por !p1, !p1  }
0xc0: {  	p1 =	por p6, p1  }
0xc1: {  	s25 =	smov.u32 @p1 s26;
	s26 =	spop (v2sf)  }
0xc2: {  	s24 =	smov.u32 @p1 s28;
	p4 =	seq.f32 s26, s25;
	s28 =	spop (v2sf)  }
0xc3: {  	(v2sf) =	vpush v34, $0xF;
	p5 =	slt.s32 s28, s24  }
0xc4: {  	p6 =	sgt.f32 s26, s25;
	(v2sf) =	vpush v33, $0xF;
	p1 =	por !p4, !p5  }
0xc5: {  	p1 =	por !p1, !p1  }
0xc6: {  	p1 =	por p6, p1  }
0xc7: {  	s29 =	spop (v2sf);
	s25 =	smov.u32 @p1 s26  }
0xc8: {  	s26 =	spop (v2sf);
	s24 =	smov.u32 @p1 s28;
	p4 =	seq.f32 s29, s25  }
0xc9: {  	p5 =	slt.s32 s26, s24  }
0xca: {  	p6 =	sgt.f32 s29, s25;
	p1 =	por !p4, !p5  }
0xcb: {  	p1 =	por !p1, !p1  }
0xcc: {  	p1 =	por p6, p1  }
0xcd: {  	s28 =	spop (v2sf);
	s25 =	smov.u32 @p1 s29  }
0xce: {  	s29 =	spop (v2sf);
	s24 =	smov.u32 @p1 s26;
	p4 =	seq.f32 s28, s25  }
0xcf: {  	p5 =	slt.s32 s29, s24  }
0xd0: {  	p6 =	sgt.f32 s28, s25;
	p1 =	por !p4, !p5  }
0xd1: {  	p1 =	por !p1, !p1  }
0xd2: {  	s31 =	spop (v2sf);
	p1 =	por p6, p1  }
0xd3: {  	s25 =	smov.u32 @p1 s28;
	s24 =	smov.u32 @p1 s29;
	s28 =	spop (v2sf)  }
0xd4: {  	p1 =	seq.f32 s31, s25;
	p2 =	slt.s32 s28, s24;
	s29 =	smov.u32 s24  }
0xd5: {  	p3 =	sgt.f32 s31, s25;
	s29 =	smov.u32 @p2 s28  }
0xd6: {  	s24 =	smov.u32 @p1 s29  }
0xd7: {  	s24 =	smov.u32 @p3 s28  }
0xd8: {  	v52 =	vadd.s32 s24, v32  }
0xd9: {  	[tilespmem:$0x200] =	vst v52  }
0xda: {  	[tilespmem:s20], [sflag:$0x1] =	stream.indirect.gather [hbm4b:s1+s18], $0x80, s19, s18, $0xb8;
	[tilespmem:$0xE80] =	vst v63  }
0xdb: {  	_ =	swait.ge [sflag:s21], $0x800  }
0xdc: {  	[sflag:s21] =	ssyncset.done $0x0  }
0xdd: {  	[sflag:s21] =	ssyncadd.s32 $0xFFFFF800  }
0xde: {  	v33 =	vld [tilespmem:$0xA80]  }
0xdf: {  	v53 =	vld [tilespmem:$0x280]  }
0xe0: {  	v54 =	vld [tilespmem:$0x290]  }
0xe1: {  	v55 =	vld [tilespmem:$0x2A0]  }
0xe2: {  	v56 =	vld [tilespmem:$0x2B0]  }
0xe3: {  	v57 =	vld [tilespmem:$0x2C0]  }
0xe4: {  	v39 =	vld [tilespmem:$0x2D0];
	v34 =	vmul.f32 v53, v33  }
0xe5: {  	v40 =	vld [tilespmem:$0x2E0];
	v35 =	vmul.f32 v54, v33  }
0xe6: {  	v59 =	vld [tilespmem:$0x2F0];
	v58 =	vmul.f32 v55, v33;
	[tilespmem:$0xB00] =	vst v34  }
0xe7: {  	v61 =	vld [tilespmem:$0x300];
	v60 =	vmul.f32 v56, v33;
	[tilespmem:$0xB10] =	vst v35  }
0xe8: {  	v63 =	vld [tilespmem:$0x310];
	v62 =	vmul.f32 v57, v33;
	[tilespmem:$0xB20] =	vst v58  }
0xe9: {  	v45 =	vld [tilespmem:$0x320];
	v44 =	vmul.f32 v39, v33;
	[tilespmem:$0xB30] =	vst v60  }
0xea: {  	v47 =	vld [tilespmem:$0x330];
	v46 =	vmul.f32 v40, v33;
	[tilespmem:$0xB40] =	vst v62  }
0xeb: {  	v49 =	vld [tilespmem:$0x340];
	v48 =	vmul.f32 v59, v33;
	[tilespmem:$0xB50] =	vst v44  }
0xec: {  	v51 =	vld [tilespmem:$0x350];
	v50 =	vmul.f32 v61, v33;
	[tilespmem:$0xB60] =	vst v46  }
0xed: {  	v52 =	vmul.f32 v63, v33;
	v53 =	vld [tilespmem:$0x360];
	[tilespmem:$0xB70] =	vst v48  }
0xee: {  	v54 =	vmul.f32 v45, v33;
	v55 =	vld [tilespmem:$0x370];
	[tilespmem:$0xB80] =	vst v50  }
0xef: {  	v56 =	vmul.f32 v47, v33;
	v57 =	vld [tilespmem:$0x380];
	[tilespmem:$0xB90] =	vst v52  }
0xf0: {  	v59 =	vld [tilespmem:$0x390];
	[tilespmem:$0xBA0] =	vst v54;
	v58 =	vmul.f32 v49, v33  }
0xf1: {  	v61 =	vld [tilespmem:$0x3A0];
	[tilespmem:$0xBB0] =	vst v56;
	v60 =	vmul.f32 v51, v33  }
0xf2: {  	v63 =	vld [tilespmem:$0x3B0];
	[tilespmem:$0xBC0] =	vst v58;
	v62 =	vmul.f32 v53, v33  }
0xf3: {  	v45 =	vld [tilespmem:$0x3C0];
	[tilespmem:$0xBD0] =	vst v60;
	v44 =	vmul.f32 v55, v33  }
0xf4: {  	v47 =	vld [tilespmem:$0x3D0];
	v46 =	vmul.f32 v57, v33;
	[tilespmem:$0xBE0] =	vst v62  }
0xf5: {  	v49 =	vld [tilespmem:$0x3E0];
	v48 =	vmul.f32 v59, v33;
	[tilespmem:$0xBF0] =	vst v44  }
0xf6: {  	v51 =	vld [tilespmem:$0x3F0];
	v50 =	vmul.f32 v61, v33;
	[tilespmem:$0xC00] =	vst v46  }
0xf7: {  	v52 =	vmul.f32 v63, v33;
	v53 =	vld [tilespmem:$0x400];
	[tilespmem:$0xC10] =	vst v48  }
0xf8: {  	v54 =	vmul.f32 v45, v33;
	v55 =	vld [tilespmem:$0x410];
	[tilespmem:$0xC20] =	vst v50  }
0xf9: {  	v56 =	vmul.f32 v47, v33;
	v57 =	vld [tilespmem:$0x420];
	[tilespmem:$0xC30] =	vst v52  }
0xfa: {  	v59 =	vld [tilespmem:$0x430];
	[tilespmem:$0xC40] =	vst v54;
	v58 =	vmul.f32 v49, v33  }
0xfb: {  	v61 =	vld [tilespmem:$0x440];
	[tilespmem:$0xC50] =	vst v56;
	v60 =	vmul.f32 v51, v33  }
0xfc: {  	v63 =	vld [tilespmem:$0x450];
	[tilespmem:$0xC60] =	vst v58;
	v62 =	vmul.f32 v53, v33  }
0xfd: {  	v45 =	vld [tilespmem:$0x460];
	[tilespmem:$0xC70] =	vst v60;
	v44 =	vmul.f32 v55, v33  }
0xfe: {  	v47 =	vld [tilespmem:$0x470];
	v46 =	vmul.f32 v57, v33;
	[tilespmem:$0xC80] =	vst v62  }
0xff: {  	v49 =	vld [tilespmem:$0x480];
	v48 =	vmul.f32 v59, v33;
	[tilespmem:$0xC90] =	vst v44  }
0x100: {  	v51 =	vld [tilespmem:$0x490];
	v50 =	vmul.f32 v61, v33;
	[tilespmem:$0xCA0] =	vst v46  }
0x101: {  	v52 =	vmul.f32 v63, v33;
	v53 =	vld [tilespmem:$0x4A0];
	[tilespmem:$0xCB0] =	vst v48  }
0x102: {  	v54 =	vmul.f32 v45, v33;
	v55 =	vld [tilespmem:$0x4B0];
	[tilespmem:$0xCC0] =	vst v50  }
0x103: {  	v56 =	vmul.f32 v47, v33;
	v57 =	vld [tilespmem:$0x4C0];
	[tilespmem:$0xCD0] =	vst v52  }
0x104: {  	v59 =	vld [tilespmem:$0x4D0];
	[tilespmem:$0xCE0] =	vst v54;
	v58 =	vmul.f32 v49, v33  }
0x105: {  	v61 =	vld [tilespmem:$0x4E0];
	[tilespmem:$0xCF0] =	vst v56;
	v60 =	vmul.f32 v51, v33  }
0x106: {  	v63 =	vld [tilespmem:$0x4F0];
	[tilespmem:$0xD00] =	vst v58;
	v62 =	vmul.f32 v53, v33  }
0x107: {  	v45 =	vld [tilespmem:$0x500];
	[tilespmem:$0xD10] =	vst v60;
	v44 =	vmul.f32 v55, v33  }
0x108: {  	v47 =	vld [tilespmem:$0x510];
	v46 =	vmul.f32 v57, v33;
	[tilespmem:$0xD20] =	vst v62  }
0x109: {  	v49 =	vld [tilespmem:$0x520];
	v48 =	vmul.f32 v59, v33;
	[tilespmem:$0xD30] =	vst v44  }
0x10a: {  	v51 =	vld [tilespmem:$0x530];
	v50 =	vmul.f32 v61, v33;
	[tilespmem:$0xD40] =	vst v46  }
0x10b: {  	v52 =	vmul.f32 v63, v33;
	v53 =	vld [tilespmem:$0x540];
	[tilespmem:$0xD50] =	vst v48  }
0x10c: {  	v54 =	vmul.f32 v45, v33;
	v55 =	vld [tilespmem:$0x550];
	[tilespmem:$0xD60] =	vst v50  }
0x10d: {  	v56 =	vmul.f32 v47, v33;
	v57 =	vld [tilespmem:$0x560];
	[tilespmem:$0xD70] =	vst v52  }
0x10e: {  	v59 =	vld [tilespmem:$0x570];
	[tilespmem:$0xD80] =	vst v54;
	v58 =	vmul.f32 v49, v33  }
0x10f: {  	[tilespmem:$0xD90] =	vst v56;
	v60 =	vmul.f32 v51, v33  }
0x110: {  	[tilespmem:$0xDA0] =	vst v58;
	v61 =	vmul.f32 v53, v33  }
0x111: {  	[tilespmem:$0xDB0] =	vst v60;
	v62 =	vmul.f32 v55, v33  }
0x112: {  	v63 =	vmul.f32 v57, v33;
	[tilespmem:$0xDC0] =	vst v61  }
0x113: {  	v33 =	vmul.f32 v59, v33;
	[tilespmem:$0xDD0] =	vst v62  }
0x114: {  	[tilespmem:$0xDE0] =	vst v63  }
.Ltmp3:
0x115: {  	[tilespmem:$0xDF0] =	vst v33;
	(pc) =	sbr.rel .LBB2_3-.Ltmp3, $4  }
0x116: {  	[hbm4b:s10+s14] =	stream.strided.scatter [tilespmem:s23], [sflag:$0x2], $0x300, s22, s14, $0x38;
	[tilespmem:$0xE80] =	vst v63  }
0x117: {  	_ =	swait.ge [sflag:s13], $0x300  }
0x118: {  	[sflag:s13] =	ssyncset.done $0x0  }
0x119: {  	[sflag:s13] =	ssyncadd.s32 $0xFFFFFD00  }
.LBB2_4:
0x11a: {  	_ =	sfence.sel $0x180000  }
0x11b: {  	[bflag:$0x0] =	sbarrier.arrive $0xFFFF  }
0x11c: {  	p0 =	sne.s32 s2, $0x0;
	_ =	strace $0x90000047  }
0x11d: {  	s0 =	sadd.s32 @!p0 $0x100000, s0;
	[bflag:$0x2] =	sbarrier.arrive $0xFFFF  }
0x11e: {  	[sflag:s0] =	ssyncadd.tile.s32 @!p0 $0x1;
	_ =	shalt  }
.Lfunc_end2:
_tile_overlayer_lowered:
.L_overlay_start_2:
0x11f: {  	(tag) =	ssettag $0x2  }
0x120: {  	s0 =	rddreg [dreg:$0x0];
	s2 =	stileid.u32  }
0x121: {  	s1 =	rddreg [dreg:$0x1];
	p0 =	sne.s32 s2, $0x0  }
0x122: {  	s3 =	rddreg [dreg:$0x2];
	[bflag:$0x3] =	sbarrier.arrive $0xFFFF;
	s2 =	simm.s32 @!p0 $0x1C02  }
0x123: {  	[timem:s3], [sflag:s2] =	dma.local @!p0 [hbm:s0], s1  }
0x124: {  	s0 =	simm.s32 @!p0 $0x2  }
0x125: {  	_ =	swait.ge @!p0 [sflag:s0], s1  }
0x126: {  	s1 =	ssub.s32 @!p0 $0x0, s1;
	[sflag:s0] =	ssyncset.done @!p0 $0x0  }
0x127: {  	[sflag:s0] =	ssyncadd.s32 @!p0 s1  }
0x128: {  	[bflag:$0x3] =	sbarrier.arrive $0xFFFF  }
0x129: {  	_ =	shalt  }

</sc_bundles>
